<compile_context>
chip_gen: v7x
topology: tpu7x:2x2x1
jax: 0.10.2.dev20260603
libtpu: 0.0.44.dev20260713+nightly
codegen_flags: <defaults>
</compile_context>

<pallas_src>
import functools

import jax
import jax.numpy as jnp
from jax import lax
from jax.experimental import pallas as pl
from jax.experimental.pallas import tpu as pltpu
from jax.experimental.pallas import tpu_sc as plsc

N_AGENTS = 40000
N_MAP = 10000
N_NODES = N_AGENTS + N_MAP
N_PAD = 51200
N_EDGES = 800000
CHUNK = 128
N_CHUNKS_REAL = N_EDGES // CHUNK
W_CHUNKS = 196
N_CHUNKS_PAD = 32 * W_CHUNKS
GRP = 28
ROWS_PER_TILE = N_PAD // 16
AROWS_PER_TILE = N_AGENTS // 16
HID = 32
DEGW = 16


HALF = W_CHUNKS // 2


def _deg_body(e_hbm, zer, out, dstv, ones_v, deg_sh, cbuf, cvec, sems):
    c = lax.axis_index("c")
    s = lax.axis_index("s")
    w = c * 16 + s

    r0 = s * ROWS_PER_TILE
    pltpu.sync_copy(zer.at[pl.ds(r0, ROWS_PER_TILE)],
                    deg_sh.at[pl.ds(r0, ROWS_PER_TILE)])

    one16 = jnp.ones((16,), jnp.float32)

    def fill(i, _):
        ones_v[0, i, pl.ds(0, 16)] = one16
        ones_v[1, i, pl.ds(0, 16)] = one16
        return 0

    lax.fori_loop(0, CHUNK, fill, 0, unroll=8)
    plsc.subcore_barrier()

    base = w * W_CHUNKS

    def half(h, _):
        h0 = base + h * HALF
        pltpu.sync_copy(e_hbm.at[1, pl.ds(h0, HALF)], dstv)

        def scat(j, b):
            return pltpu.make_async_copy(ones_v.at[b], deg_sh.at[dstv.at[j]],
                                         sems[b])

        def body(i, _):
            for b in range(2):
                j = 2 * i + b

                @pl.when(h0 + j < N_CHUNKS_REAL)
                def _():
                    scat(j, b).start(add=True)

                @pl.when(jnp.logical_and(j >= 2, h0 + j - 2 < N_CHUNKS_REAL))
                def _():
                    scat(j - 2, b).wait()
            return 0

        lax.fori_loop(0, HALF // 2, body, 0)
        for j in range(HALF - 2, HALF):
            @pl.when(h0 + j < N_CHUNKS_REAL)
            def _():
                scat(j, j % 2).wait()
        return 0

    lax.fori_loop(0, 2, half, 0)
    plsc.subcore_barrier()

    pltpu.sync_copy(deg_sh.at[pl.ds(r0, ROWS_PER_TILE)], cbuf)
    col0 = jnp.zeros((16,), jnp.int32)
    iota16 = lax.iota(jnp.int32, 16)

    def comp(k, _):
        vals = plsc.load_gather(cbuf, [k * 16 + iota16, col0])
        cvec[pl.ds(k * 16, 16)] = vals
        return 0

    lax.fori_loop(0, ROWS_PER_TILE // 16, comp, 0)
    pltpu.sync_copy(cvec, out.at[c, pl.ds(r0, ROWS_PER_TILE)])


def _deg_call(eidx, zer16):
    kern = functools.partial(
        pl.kernel,
        out_type=jax.ShapeDtypeStruct((2, N_PAD), jnp.float32),
        mesh=plsc.VectorSubcoreMesh(core_axis_name="c", subcore_axis_name="s",
                                    num_cores=2, num_subcores=16),
        compiler_params=pltpu.CompilerParams(use_tc_tiling_on_sc=False,
                                             needs_layout_passes=False),
        scratch_types=[
            pltpu.VMEM((HALF, CHUNK), jnp.int32),
            pltpu.VMEM((2, CHUNK, DEGW), jnp.float32),
            pltpu.VMEM_SHARED((N_PAD, DEGW), jnp.float32),
            pltpu.VMEM((ROWS_PER_TILE, DEGW), jnp.float32),
            pltpu.VMEM((ROWS_PER_TILE,), jnp.float32),
            [pltpu.SemaphoreType.DMA] * 4,
        ],
    )(_deg_body)
    return kern(eidx, zer16)


def _agg_body(xs_hbm, e_hbm, zer, out,
              srcv, dstv, rbs, yacc, gsem, ssem):
    c = lax.axis_index("c")
    s = lax.axis_index("s")
    w = c * 16 + s
    r0 = s * ROWS_PER_TILE

    pltpu.sync_copy(zer.at[pl.ds(r0, ROWS_PER_TILE)],
                    yacc.at[pl.ds(r0, ROWS_PER_TILE)])
    plsc.subcore_barrier()

    def group(gi, _):
        c0 = w * W_CHUNKS + gi * GRP
        pltpu.sync_copy(e_hbm.at[0, pl.ds(c0, GRP)], srcv)
        pltpu.sync_copy(e_hbm.at[1, pl.ds(c0, GRP)], dstv)

        def gath(j, b):
            return pltpu.make_async_copy(xs_hbm.at[srcv.at[j]], rbs[b],
                                         gsem[b])

        def scat(j, b):
            return pltpu.make_async_copy(rbs[b], yacc.at[dstv.at[j]],
                                         ssem[b])

        gath(0, 0).start()
        gath(1, 1).start()

        def body(i, _):
            for b in range(4):
                j = 4 * i + b
                gath(j, b).wait()

                @pl.when(c0 + j < N_CHUNKS_REAL)
                def _():
                    scat(j, b).start(add=True)

                @pl.when(j + 2 < GRP)
                def _():
                    @pl.when(jnp.logical_and(
                        j >= 2, c0 + j - 2 < N_CHUNKS_REAL))
                    def _():
                        scat(j - 2, (b + 2) % 4).wait()

                    gath(j + 2, (b + 2) % 4).start()
            return 0

        lax.fori_loop(0, GRP // 4, body, 0)
        for j in range(GRP - 4, GRP):
            @pl.when(c0 + j < N_CHUNKS_REAL)
            def _():
                scat(j, j % 4).wait()
        return 0

    lax.fori_loop(0, W_CHUNKS // GRP, group, 0)
    plsc.subcore_barrier()

    a0 = s * AROWS_PER_TILE
    pltpu.sync_copy(yacc.at[pl.ds(a0, AROWS_PER_TILE)],
                    out.at[c, pl.ds(a0, AROWS_PER_TILE)])


def _agg_call(xs, eidx, zer32):
    kern = functools.partial(
        pl.kernel,
        out_type=jax.ShapeDtypeStruct((2, N_AGENTS, HID), jnp.float32),
        mesh=plsc.VectorSubcoreMesh(core_axis_name="c", subcore_axis_name="s",
                                    num_cores=2, num_subcores=16),
        compiler_params=pltpu.CompilerParams(use_tc_tiling_on_sc=False),
        scratch_types=[
            pltpu.VMEM((GRP, CHUNK), jnp.int32),
            pltpu.VMEM((GRP, CHUNK), jnp.int32),
            [pltpu.VMEM((CHUNK, HID), jnp.float32)] * 4,
            pltpu.VMEM_SHARED((N_PAD, HID), jnp.float32),
            [pltpu.SemaphoreType.DMA] * 4,
            [pltpu.SemaphoreType.DMA] * 4,
        ],
    )(_agg_body)
    return kern(xs, eidx, zer32)


def _enc_body(xf_ref, wa_ref, wm_ref, ba_ref, bm_ref, deg_ref,
              xs_ref, dinv_ref):
    i = pl.program_id(0)
    rows = i * ROWS_PER_TILE + lax.broadcasted_iota(
        jnp.int32, (ROWS_PER_TILE, 1), 0)
    xf = xf_ref[...]
    ha = jnp.dot(xf, wa_ref[...], preferred_element_type=jnp.float32) \
        + ba_ref[...]
    hm = jnp.dot(xf, wm_ref[...], preferred_element_type=jnp.float32) \
        + bm_ref[...]
    x = jnp.where(rows < N_AGENTS, ha, hm)
    x = jnp.where(rows < N_NODES, x, 0.0)
    deg = deg_ref[...] + 1.0
    dinv = lax.rsqrt(deg)
    xs_ref[...] = x * dinv
    dinv_ref[...] = dinv


def _enc_call(xf, wa, wm, ba, bm, deg_parts):
    grid = N_PAD // ROWS_PER_TILE
    return pl.pallas_call(
        _enc_body,
        grid=(grid,),
        in_specs=[
            pl.BlockSpec((ROWS_PER_TILE, 16), lambda i: (i, 0)),
            pl.BlockSpec((16, HID), lambda i: (0, 0)),
            pl.BlockSpec((16, HID), lambda i: (0, 0)),
            pl.BlockSpec((1, HID), lambda i: (0, 0)),
            pl.BlockSpec((1, HID), lambda i: (0, 0)),
            pl.BlockSpec((ROWS_PER_TILE, 1), lambda i: (i, 0)),
        ],
        out_specs=[
            pl.BlockSpec((ROWS_PER_TILE, HID), lambda i: (i, 0)),
            pl.BlockSpec((ROWS_PER_TILE, 1), lambda i: (i, 0)),
        ],
        out_shape=[
            jax.ShapeDtypeStruct((N_PAD, HID), jnp.float32),
            jax.ShapeDtypeStruct((N_PAD, 1), jnp.float32),
        ],
    )(xf, wa, wm, ba, bm, deg_parts)


def _fin_body(yp_ref, xs_ref, dinv_ref,
              wcz_ref, bcz_ref, wlz_ref, blz_ref,
              wch_ref, bch_ref, wlh_ref, blh_ref,
              wd1_ref, bd1_ref, wd2_ref, bd2_ref, out_ref):
    y = (yp_ref[0] + yp_ref[1] + xs_ref[...]) * dinv_ref[...]
    gz = jnp.dot(y, wcz_ref[...], preferred_element_type=jnp.float32) \
        + bcz_ref[...]
    z = jax.nn.sigmoid(
        jnp.dot(gz, wlz_ref[:HID, :], preferred_element_type=jnp.float32)
        + blz_ref[...])
    gh = jnp.dot(y, wch_ref[...], preferred_element_type=jnp.float32) \
        + bch_ref[...]
    ht = jnp.tanh(
        jnp.dot(gh, wlh_ref[:HID, :], preferred_element_type=jnp.float32)
        + blh_ref[...])
    h = jax.nn.relu((1.0 - z) * ht)
    d1 = jax.nn.relu(
        jnp.dot(h, wd1_ref[...], preferred_element_type=jnp.float32)
        + bd1_ref[...])
    out_ref[...] = jnp.dot(d1, wd2_ref[...],
                           preferred_element_type=jnp.float32) + bd2_ref[...]


def _fin_call(yp, xs, dinv, p):
    blk = 2000
    grid = N_AGENTS // blk
    full = lambda shp: pl.BlockSpec(shp, lambda i: tuple(0 for _ in shp))
    return pl.pallas_call(
        _fin_body,
        grid=(grid,),
        in_specs=[
            pl.BlockSpec((2, blk, HID), lambda i: (0, i, 0)),
            pl.BlockSpec((blk, HID), lambda i: (i, 0)),
            pl.BlockSpec((blk, 1), lambda i: (i, 0)),
            full((HID, HID)), full((1, HID)), full((2 * HID, HID)),
            full((1, HID)),
            full((HID, HID)), full((1, HID)), full((2 * HID, HID)),
            full((1, HID)),
            full((HID, 2 * HID)), full((1, 2 * HID)),
            full((2 * HID, 100)), full((1, 100)),
        ],
        out_specs=pl.BlockSpec((blk, 100), lambda i: (i, 0)),
        out_shape=jax.ShapeDtypeStruct((N_AGENTS, 100), jnp.float32),
    )(yp, xs, dinv,
      p['W_cz'], p['b_cz'].reshape(1, -1), p['W_lz'], p['b_lz'].reshape(1, -1),
      p['W_ch'], p['b_ch'].reshape(1, -1), p['W_lh'], p['b_lh'].reshape(1, -1),
      p['W_d1'], p['b_d1'].reshape(1, -1), p['W_d2'], p['b_d2'].reshape(1, -1))


@jax.jit
def kernel(agent_x, map_x, edge_index, params):
    p = params
    xf = jnp.zeros((N_PAD, 16), jnp.float32)
    xf = xf.at[:N_AGENTS, :9].set(agent_x)
    xf = xf.at[N_AGENTS:N_NODES, :6].set(map_x)
    wa = jnp.zeros((16, HID), jnp.float32).at[:9].set(p['W_ae'])
    wm = jnp.zeros((16, HID), jnp.float32).at[:6].set(p['W_me'])
    ba = p['b_ae'].reshape(1, -1)
    bm = p['b_me'].reshape(1, -1)

    eidx = jnp.pad(edge_index.reshape(2, N_CHUNKS_REAL, CHUNK),
                   ((0, 0), (0, N_CHUNKS_PAD - N_CHUNKS_REAL), (0, 0)),
                   constant_values=N_NODES)

    zer16 = jnp.zeros((N_PAD, DEGW), jnp.float32)
    zer32 = jnp.zeros((N_PAD, HID), jnp.float32)

    deg_parts = _deg_call(eidx, zer16)
    dsum = (deg_parts[0] + deg_parts[1]).reshape(N_PAD, 1)
    xs, dinv = _enc_call(xf, wa, wm, ba, bm, dsum)
    yp = _agg_call(xs, eidx, zer32)
    pred = _fin_call(yp, xs, dinv, p)
    return pred.reshape(-1, 50, 2)

# --- scband reference (transcript-rebuilt; emitter-appended) ---
"""Pipeline reference for scband-a3-tgcnwith-map-23776938951052 (READ-ONLY COPY).

The authoritative reference and input builder live on the scoring server;
editing this copy changes nothing except your own understanding.
"""

import jax, jax.numpy as jnp
import numpy as np

NUM_AGENTS = 40000
NUM_MAP = 10000
NUM_NODES = NUM_AGENTS + NUM_MAP
NUM_EDGES = 800000
AGENT_F = 9
MAP_F = 6
HID = 32
PERIODS = 8
PRED_STEPS = 50


def _glorot(key, shape):
    lim = float(np.sqrt(6.0 / (shape[0] + shape[1])))
    return jax.random.uniform(key, shape, minval=-lim, maxval=lim, dtype=jnp.float32)


def _make_params(key):
    ks = jax.random.split(key, 16)
    p = {}
    p['W_ae'] = _glorot(ks[0], (AGENT_F, HID)); p['b_ae'] = jnp.zeros((HID,), jnp.float32)
    p['W_me'] = _glorot(ks[1], (MAP_F, HID)); p['b_me'] = jnp.zeros((HID,), jnp.float32)
    for i, g in enumerate(['z', 'r', 'h']):
        p['W_c' + g] = _glorot(ks[2 + 2 * i], (HID, HID)); p['b_c' + g] = jnp.zeros((HID,), jnp.float32)
        p['W_l' + g] = _glorot(ks[3 + 2 * i], (2 * HID, HID)); p['b_l' + g] = jnp.zeros((HID,), jnp.float32)
    p['att'] = jax.random.normal(ks[8], (PERIODS,), dtype=jnp.float32) * 0.1
    p['W_d1'] = _glorot(ks[9], (HID, 2 * HID)); p['b_d1'] = jnp.zeros((2 * HID,), jnp.float32)
    p['W_d2'] = _glorot(ks[10], (2 * HID, 2 * PRED_STEPS)); p['b_d2'] = jnp.zeros((2 * PRED_STEPS,), jnp.float32)
    return p


def setup_inputs(seed: int = 0):
    key = jax.random.key(seed)
    k1, k2, k3, k4 = jax.random.split(key, 4)
    agent_x = jax.random.normal(k1, (NUM_AGENTS, AGENT_F), dtype=jnp.float32)
    map_x = jax.random.normal(k2, (NUM_MAP, MAP_F), dtype=jnp.float32)
    edge_index = jax.random.randint(k3, (2, NUM_EDGES), 0, NUM_NODES, dtype=jnp.int32)
    params = _make_params(k4)
    return {'agent_x': agent_x, 'map_x': map_x, 'edge_index': edge_index, 'params': params}


def _forward(agent_x, map_x, params, edge_index):
    p = params
    # encoders
    agent_h = agent_x @ p['W_ae'] + p['b_ae']
    map_h = map_x @ p['W_me'] + p['b_me']
    x = jnp.concatenate([agent_h, map_h], axis=0)
    # GCN normalization with self loops (PyG GCNConv)
    loop = jnp.arange(NUM_NODES, dtype=edge_index.dtype)
    src = jnp.concatenate([edge_index[0], loop])
    dst = jnp.concatenate([edge_index[1], loop])
    deg = jnp.zeros((NUM_NODES,), jnp.float32).at[dst].add(1.0)
    dinv = jax.lax.rsqrt(deg)
    normc = dinv[src] * dinv[dst]

    def gcn(xx, W, b):
        msg = (xx @ W)[src] * normc[:, None]
        return jax.ops.segment_sum(msg, dst, num_segments=NUM_NODES) + b

    # TGCN cell with H = None -> zeros (as in torch_geometric_temporal A3TGCN,
    # where H is not threaded across periods). Input x has no time axis, so
    # every period sees the same x and the cell output is identical per period.
    H0 = jnp.zeros((NUM_NODES, HID), jnp.float32)
    Z = jax.nn.sigmoid(jnp.concatenate([gcn(x, p['W_cz'], p['b_cz']), H0], axis=1) @ p['W_lz'] + p['b_lz'])
    R = jax.nn.sigmoid(jnp.concatenate([gcn(x, p['W_cr'], p['b_cr']), H0], axis=1) @ p['W_lr'] + p['b_lr'])
    Ht = jnp.tanh(jnp.concatenate([gcn(x, p['W_ch'], p['b_ch']), H0 * R], axis=1) @ p['W_lh'] + p['b_lh'])
    cell = Z * H0 + (1.0 - Z) * Ht

    probs = jax.nn.softmax(p['att'])
    H_accum = jnp.zeros((NUM_NODES, HID), jnp.float32)
    for t in range(PERIODS):
        H_accum = H_accum + probs[t] * cell

    h = jax.nn.relu(H_accum)
    h = h[:NUM_AGENTS]
    d1 = jax.nn.relu(h @ p['W_d1'] + p['b_d1'])
    pred = d1 @ p['W_d2'] + p['b_d2']
    return pred.reshape(-1, PRED_STEPS, 2)


def reference(agent_x, map_x, edge_index, params):
    return _forward(agent_x, map_x, params, edge_index)

if __name__ == "__main__":
    import jax
    _d = setup_inputs()
    print(jax.jit(kernel)(*tuple(_d.values())))

</pallas_src>

<mosaic_0001>
#map = affine_map<(d0, d1) -> (0, 0)>
#map1 = affine_map<(d0, d1) -> (0, 0, 0)>
module attributes {stable_mosaic.version = 14 : i64} {
  func.func @_agg_body(%arg0: i32, %arg1: i32, %arg2: memref<51200x32xf32, #tpu.memory_space<hbm>>, %arg3: memref<2x6272x128xi32, #tpu.memory_space<hbm>>, %arg4: memref<51200x32xf32, #tpu.memory_space<hbm>>, %arg5: memref<2x40000x32xf32, #tpu.memory_space<hbm>>, %arg6: memref<28x128xi32, #tpu.memory_space<vmem>>, %arg7: memref<28x128xi32, #tpu.memory_space<vmem>>, %arg8: memref<128x32xf32, #tpu.memory_space<vmem>>, %arg9: memref<128x32xf32, #tpu.memory_space<vmem>>, %arg10: memref<128x32xf32, #tpu.memory_space<vmem>>, %arg11: memref<128x32xf32, #tpu.memory_space<vmem>>, %arg12: memref<51200x32xf32, #tpu.memory_space<vmem_shared>>, %arg13: memref<!tpu.dma_semaphore, #tpu.memory_space<semaphore_mem>>, %arg14: memref<!tpu.dma_semaphore, #tpu.memory_space<semaphore_mem>>, %arg15: memref<!tpu.dma_semaphore, #tpu.memory_space<semaphore_mem>>, %arg16: memref<!tpu.dma_semaphore, #tpu.memory_space<semaphore_mem>>, %arg17: memref<!tpu.dma_semaphore, #tpu.memory_space<semaphore_mem>>, %arg18: memref<!tpu.dma_semaphore, #tpu.memory_space<semaphore_mem>>, %arg19: memref<!tpu.dma_semaphore, #tpu.memory_space<semaphore_mem>>, %arg20: memref<!tpu.dma_semaphore, #tpu.memory_space<semaphore_mem>>) attributes {dimension_semantics = [#tpu.dimension_semantics<core_parallel>, #tpu.dimension_semantics<subcore_parallel>], iteration_bounds = array<i64: 2, 16>, scalar_prefetch = 0 : i64, scratch_operands = 15 : i64, tpu.core_type = #tpu.core_type<sc_vector_subcore>, window_params = [{transform_indices = #map}, {transform_indices = #map1}, {transform_indices = #map}, {transform_indices = #map1}]} {
    %mul3A = arith.constant 16 : i32
    %mul3A_0 = arith.muli %arg0, %mul3A : i32
    %add3A = arith.addi %mul3A_0, %arg1 : i32
    %mul3A_1 = arith.constant 3200 : i32
    %mul3A_2 = arith.muli %arg1, %mul3A_1 : i32
    "tpu.region"() ({
      %run_scoped3A = tpu.sem_alloc : memref<!tpu.dma_semaphore, #tpu.memory_space<semaphore_mem>>
      %dma_start3A = arith.constant 0 : i32
      %dma_start3A_12 = tpu.memref_slice %arg12[%mul3A_2, %dma_start3A] : memref<51200x32xf32, #tpu.memory_space<vmem_shared>> -> memref<3200x32xf32, #tpu.memory_space<vmem_shared>>
      %dma_start3A_13 = arith.constant 0 : i32
      %dma_start3A_14 = tpu.memref_slice %arg4[%mul3A_2, %dma_start3A_13] : memref<51200x32xf32, #tpu.memory_space<hbm>> -> memref<3200x32xf32, #tpu.memory_space<hbm>>
      tpu.enqueue_dma source(%dma_start3A_14 : memref<3200x32xf32, #tpu.memory_space<hbm>>) target(%dma_start3A_12 : memref<3200x32xf32, #tpu.memory_space<vmem_shared>>) target_semaphore(%run_scoped3A : memref<!tpu.dma_semaphore, #tpu.memory_space<semaphore_mem>>)
      %dma_wait3A = arith.constant 0 : i32
      %dma_wait3A_15 = tpu.memref_slice %arg12[%mul3A_2, %dma_wait3A] : memref<51200x32xf32, #tpu.memory_space<vmem_shared>> -> memref<3200x32xf32, #tpu.memory_space<vmem_shared>>
      %dma_wait3A_16 = arith.constant 0 : i32
      %dma_wait3A_17 = tpu.memref_slice %arg4[%mul3A_2, %dma_wait3A_16] : memref<51200x32xf32, #tpu.memory_space<hbm>> -> memref<3200x32xf32, #tpu.memory_space<hbm>>
      tpu.wait_dma2 semaphore(%run_scoped3A : memref<!tpu.dma_semaphore, #tpu.memory_space<semaphore_mem>>) src(%dma_wait3A_17 : memref<3200x32xf32, #tpu.memory_space<hbm>>) dst(%dma_wait3A_15 : memref<3200x32xf32, #tpu.memory_space<vmem_shared>>)
      tpu.yield
    }) : () -> ()
    %barrier3A = arith.constant 0 : index
    tpu.barrier barrier_id(%barrier3A)
    %scan3A = arith.constant 0 : i32
    %scan3A_3 = arith.constant 0 : i32
    %scan3A_4 = arith.constant 7 : i32
    %scan3A_5 = arith.addi %scan3A_3, %scan3A_4 : i32
    %scan3A_6 = arith.constant 1 : i32
    %scan3A_7 = scf.for %scan3A_12 = %scan3A_3 to %scan3A_5 step %scan3A_6 iter_args(%scan3A_13 = %scan3A) -> (i32)  : i32 {
      %mul3A_14 = arith.constant 196 : i32
      %mul3A_15 = arith.muli %add3A, %mul3A_14 : i32
      %mul3A_16 = arith.constant 28 : i32
      %mul3A_17 = arith.muli %scan3A_12, %mul3A_16 : i32
      %add3A_18 = arith.addi %mul3A_15, %mul3A_17 : i32
      %run_scoped3A = arith.constant 0 : i32
      "tpu.region"() ({
        %run_scoped3A_66 = tpu.sem_alloc : memref<!tpu.dma_semaphore, #tpu.memory_space<semaphore_mem>>
        %dma_start3A_67 = arith.constant 0 : i32
        %dma_start3A_68 = tpu.memref_slice %arg3[%run_scoped3A, %add3A_18, %dma_start3A_67] : memref<2x6272x128xi32, #tpu.memory_space<hbm>> -> memref<1x28x128xi32, #tpu.memory_space<hbm>>
        %dma_start3A_69 = tpu.memref_squeeze %dma_start3A_68 : memref<1x28x128xi32, #tpu.memory_space<hbm>> -> memref<28x128xi32, #tpu.memory_space<hbm>>
        %dma_start3A_70 = arith.constant 0 : i32
        %dma_start3A_71 = tpu.memref_slice %arg3[%run_scoped3A, %add3A_18, %dma_start3A_70] : memref<2x6272x128xi32, #tpu.memory_space<hbm>> -> memref<1x28x128xi32, #tpu.memory_space<hbm>>
        %dma_start3A_72 = tpu.memref_squeeze %dma_start3A_71 : memref<1x28x128xi32, #tpu.memory_space<hbm>> -> memref<28x128xi32, #tpu.memory_space<hbm>>
        tpu.enqueue_dma source(%dma_start3A_72 : memref<28x128xi32, #tpu.memory_space<hbm>>) target(%arg6 : memref<28x128xi32, #tpu.memory_space<vmem>>) target_semaphore(%run_scoped3A_66 : memref<!tpu.dma_semaphore, #tpu.memory_space<semaphore_mem>>)
        %dma_wait3A = arith.constant 0 : i32
        %dma_wait3A_73 = tpu.memref_slice %arg3[%run_scoped3A, %add3A_18, %dma_wait3A] : memref<2x6272x128xi32, #tpu.memory_space<hbm>> -> memref<1x28x128xi32, #tpu.memory_space<hbm>>
        %dma_wait3A_74 = tpu.memref_squeeze %dma_wait3A_73 : memref<1x28x128xi32, #tpu.memory_space<hbm>> -> memref<28x128xi32, #tpu.memory_space<hbm>>
        %dma_wait3A_75 = arith.constant 0 : i32
        %dma_wait3A_76 = tpu.memref_slice %arg3[%run_scoped3A, %add3A_18, %dma_wait3A_75] : memref<2x6272x128xi32, #tpu.memory_space<hbm>> -> memref<1x28x128xi32, #tpu.memory_space<hbm>>
        %dma_wait3A_77 = tpu.memref_squeeze %dma_wait3A_76 : memref<1x28x128xi32, #tpu.memory_space<hbm>> -> memref<28x128xi32, #tpu.memory_space<hbm>>
        tpu.wait_dma2 semaphore(%run_scoped3A_66 : memref<!tpu.dma_semaphore, #tpu.memory_space<semaphore_mem>>) src(%dma_wait3A_77 : memref<28x128xi32, #tpu.memory_space<hbm>>) dst(%arg6 : memref<28x128xi32, #tpu.memory_space<vmem>>)
        tpu.yield
      }) : () -> ()
      %run_scoped3A_19 = arith.constant 1 : i32
      "tpu.region"() ({
        %run_scoped3A_66 = tpu.sem_alloc : memref<!tpu.dma_semaphore, #tpu.memory_space<semaphore_mem>>
        %dma_start3A_67 = arith.constant 0 : i32
        %dma_start3A_68 = tpu.memref_slice %arg3[%run_scoped3A_19, %add3A_18, %dma_start3A_67] : memref<2x6272x128xi32, #tpu.memory_space<hbm>> -> memref<1x28x128xi32, #tpu.memory_space<hbm>>
        %dma_start3A_69 = tpu.memref_squeeze %dma_start3A_68 : memref<1x28x128xi32, #tpu.memory_space<hbm>> -> memref<28x128xi32, #tpu.memory_space<hbm>>
        %dma_start3A_70 = arith.constant 0 : i32
        %dma_start3A_71 = tpu.memref_slice %arg3[%run_scoped3A_19, %add3A_18, %dma_start3A_70] : memref<2x6272x128xi32, #tpu.memory_space<hbm>> -> memref<1x28x128xi32, #tpu.memory_space<hbm>>
        %dma_start3A_72 = tpu.memref_squeeze %dma_start3A_71 : memref<1x28x128xi32, #tpu.memory_space<hbm>> -> memref<28x128xi32, #tpu.memory_space<hbm>>
        tpu.enqueue_dma source(%dma_start3A_72 : memref<28x128xi32, #tpu.memory_space<hbm>>) target(%arg7 : memref<28x128xi32, #tpu.memory_space<vmem>>) target_semaphore(%run_scoped3A_66 : memref<!tpu.dma_semaphore, #tpu.memory_space<semaphore_mem>>)
        %dma_wait3A = arith.constant 0 : i32
        %dma_wait3A_73 = tpu.memref_slice %arg3[%run_scoped3A_19, %add3A_18, %dma_wait3A] : memref<2x6272x128xi32, #tpu.memory_space<hbm>> -> memref<1x28x128xi32, #tpu.memory_space<hbm>>
        %dma_wait3A_74 = tpu.memref_squeeze %dma_wait3A_73 : memref<1x28x128xi32, #tpu.memory_space<hbm>> -> memref<28x128xi32, #tpu.memory_space<hbm>>
        %dma_wait3A_75 = arith.constant 0 : i32
        %dma_wait3A_76 = tpu.memref_slice %arg3[%run_scoped3A_19, %add3A_18, %dma_wait3A_75] : memref<2x6272x128xi32, #tpu.memory_space<hbm>> -> memref<1x28x128xi32, #tpu.memory_space<hbm>>
        %dma_wait3A_77 = tpu.memref_squeeze %dma_wait3A_76 : memref<1x28x128xi32, #tpu.memory_space<hbm>> -> memref<28x128xi32, #tpu.memory_space<hbm>>
        tpu.wait_dma2 semaphore(%run_scoped3A_66 : memref<!tpu.dma_semaphore, #tpu.memory_space<semaphore_mem>>) src(%dma_wait3A_77 : memref<28x128xi32, #tpu.memory_space<hbm>>) dst(%arg7 : memref<28x128xi32, #tpu.memory_space<vmem>>)
        tpu.yield
      }) : () -> ()
      %dma_start3A = arith.constant 0 : i32
      %dma_start3A_20 = arith.constant 0 : i32
      %dma_start3A_21 = tpu.memref_slice %arg6[%dma_start3A, %dma_start3A_20] : memref<28x128xi32, #tpu.memory_space<vmem>> -> memref<1x128xi32, #tpu.memory_space<vmem>>
      %dma_start3A_22 = tpu.memref_squeeze %dma_start3A_21 : memref<1x128xi32, #tpu.memory_space<vmem>> -> memref<128xi32, #tpu.memory_space<vmem>>
      %dma_start3A_23 = arith.constant 0 : i32
      %dma_start3A_24 = arith.constant 0 : i32
      %dma_start3A_25 = tpu.memref_slice %arg2[%dma_start3A_23, %dma_start3A_24] : memref<51200x32xf32, #tpu.memory_space<hbm>> -> memref<51200x32xf32, #tpu.memory_space<hbm>>
      tpu.enqueue_indirect_dma source(%dma_start3A_25 : memref<51200x32xf32, #tpu.memory_space<hbm>>) target(%arg8 : memref<128x32xf32, #tpu.memory_space<vmem>>) offsets(%dma_start3A_22 : memref<128xi32, #tpu.memory_space<vmem>>) semaphore(%arg13 : memref<!tpu.dma_semaphore, #tpu.memory_space<semaphore_mem>>)
      %dma_start3A_26 = arith.constant 1 : i32
      %dma_start3A_27 = arith.constant 0 : i32
      %dma_start3A_28 = tpu.memref_slice %arg6[%dma_start3A_26, %dma_start3A_27] : memref<28x128xi32, #tpu.memory_space<vmem>> -> memref<1x128xi32, #tpu.memory_space<vmem>>
      %dma_start3A_29 = tpu.memref_squeeze %dma_start3A_28 : memref<1x128xi32, #tpu.memory_space<vmem>> -> memref<128xi32, #tpu.memory_space<vmem>>
      %dma_start3A_30 = arith.constant 0 : i32
      %dma_start3A_31 = arith.constant 0 : i32
      %dma_start3A_32 = tpu.memref_slice %arg2[%dma_start3A_30, %dma_start3A_31] : memref<51200x32xf32, #tpu.memory_space<hbm>> -> memref<51200x32xf32, #tpu.memory_space<hbm>>
      tpu.enqueue_indirect_dma source(%dma_start3A_32 : memref<51200x32xf32, #tpu.memory_space<hbm>>) target(%arg9 : memref<128x32xf32, #tpu.memory_space<vmem>>) offsets(%dma_start3A_29 : memref<128xi32, #tpu.memory_space<vmem>>) semaphore(%arg14 : memref<!tpu.dma_semaphore, #tpu.memory_space<semaphore_mem>>)
      %scan3A_33 = arith.constant 0 : i32
      %scan3A_34 = arith.constant 0 : i32
      %scan3A_35 = arith.constant 7 : i32
      %scan3A_36 = arith.addi %scan3A_34, %scan3A_35 : i32
      %scan3A_37 = arith.constant 1 : i32
      %scan3A_38 = scf.for %scan3A_66 = %scan3A_34 to %scan3A_36 step %scan3A_37 iter_args(%scan3A_67 = %scan3A_33) -> (i32)  : i32 {
        %mul3A_68 = arith.constant 4 : i32
        %mul3A_69 = arith.muli %mul3A_68, %scan3A_66 : i32
        %add3A_70 = arith.constant 0 : i32
        %add3A_71 = arith.addi %mul3A_69, %add3A_70 : i32
        %dma_wait3A = arith.constant 0 : i32
        %dma_wait3A_72 = tpu.memref_slice %arg6[%add3A_71, %dma_wait3A] : memref<28x128xi32, #tpu.memory_space<vmem>> -> memref<1x128xi32, #tpu.memory_space<vmem>>
        %dma_wait3A_73 = tpu.memref_squeeze %dma_wait3A_72 : memref<1x128xi32, #tpu.memory_space<vmem>> -> memref<128xi32, #tpu.memory_space<vmem>>
        %dma_wait3A_74 = arith.constant 0 : i32
        %dma_wait3A_75 = arith.constant 0 : i32
        %dma_wait3A_76 = tpu.memref_slice %arg2[%dma_wait3A_74, %dma_wait3A_75] : memref<51200x32xf32, #tpu.memory_space<hbm>> -> memref<51200x32xf32, #tpu.memory_space<hbm>>
        tpu.wait_indirect_dma semaphore(%arg13 : memref<!tpu.dma_semaphore, #tpu.memory_space<semaphore_mem>>) src(%dma_wait3A_76 : memref<51200x32xf32, #tpu.memory_space<hbm>>) dst(%arg8 : memref<128x32xf32, #tpu.memory_space<vmem>>)
        %add3A_77 = arith.addi %add3A_18, %add3A_71 : i32
        %lt3A_78 = arith.constant 6250 : i32
        %lt3A_79 = arith.cmpi slt, %add3A_77, %lt3A_78 : i32
        %convert_element_type3A_80 = arith.extui %lt3A_79 : i1 to i32
        %cond3A_81 = arith.constant 0 : i32
        %cond3A_82 = arith.cmpi ne, %convert_element_type3A_80, %cond3A_81 : i32
        scf.if %cond3A_82 {
          %dma_start3A_160 = arith.constant 0 : i32
          %dma_start3A_161 = tpu.memref_slice %arg7[%add3A_71, %dma_start3A_160] : memref<28x128xi32, #tpu.memory_space<vmem>> -> memref<1x128xi32, #tpu.memory_space<vmem>>
          %dma_start3A_162 = tpu.memref_squeeze %dma_start3A_161 : memref<1x128xi32, #tpu.memory_space<vmem>> -> memref<128xi32, #tpu.memory_space<vmem>>
          %dma_start3A_163 = arith.constant 0 : i32
          %dma_start3A_164 = arith.constant 0 : i32
          %dma_start3A_165 = tpu.memref_slice %arg12[%dma_start3A_163, %dma_start3A_164] : memref<51200x32xf32, #tpu.memory_space<vmem_shared>> -> memref<51200x32xf32, #tpu.memory_space<vmem_shared>>
          tpu.enqueue_indirect_dma source(%arg8 : memref<128x32xf32, #tpu.memory_space<vmem>>) target(%dma_start3A_165 : memref<51200x32xf32, #tpu.memory_space<vmem_shared>>) offsets(%dma_start3A_162 : memref<128xi32, #tpu.memory_space<vmem>>) semaphore(%arg17 : memref<!tpu.dma_semaphore, #tpu.memory_space<semaphore_mem>>) {add = true}
        } else {
        }
        %add3A_83 = arith.constant 2 : i32
        %add3A_84 = arith.addi %add3A_71, %add3A_83 : i32
        %lt3A_85 = arith.constant 28 : i32
        %lt3A_86 = arith.cmpi slt, %add3A_84, %lt3A_85 : i32
        %convert_element_type3A_87 = arith.extui %lt3A_86 : i1 to i32
        %cond3A_88 = arith.constant 0 : i32
        %cond3A_89 = arith.cmpi ne, %convert_element_type3A_87, %cond3A_88 : i32
        scf.if %cond3A_89 {
          %ge3A = arith.constant 2 : i32
          %ge3A_160 = arith.cmpi sge, %add3A_71, %ge3A : i32
          %add3A_161 = arith.addi %add3A_18, %add3A_71 : i32
          %sub3A = arith.constant 2 : i32
          %sub3A_162 = arith.subi %add3A_161, %sub3A : i32
          %lt3A_163 = arith.constant 6250 : i32
          %lt3A_164 = arith.cmpi slt, %sub3A_162, %lt3A_163 : i32
          %and3A = arith.andi %ge3A_160, %lt3A_164 : i1
          %convert_element_type3A_165 = arith.extui %and3A : i1 to i32
          %cond3A_166 = arith.constant 0 : i32
          %cond3A_167 = arith.cmpi ne, %convert_element_type3A_165, %cond3A_166 : i32
          scf.if %cond3A_167 {
            %sub3A_176 = arith.constant 2 : i32
            %sub3A_177 = arith.subi %add3A_71, %sub3A_176 : i32
            %dma_wait3A_178 = arith.constant 0 : i32
            %dma_wait3A_179 = tpu.memref_slice %arg7[%sub3A_177, %dma_wait3A_178] : memref<28x128xi32, #tpu.memory_space<vmem>> -> memref<1x128xi32, #tpu.memory_space<vmem>>
            %dma_wait3A_180 = tpu.memref_squeeze %dma_wait3A_179 : memref<1x128xi32, #tpu.memory_space<vmem>> -> memref<128xi32, #tpu.memory_space<vmem>>
            %dma_wait3A_181 = arith.constant 0 : i32
            %dma_wait3A_182 = arith.constant 0 : i32
            %dma_wait3A_183 = tpu.memref_slice %arg12[%dma_wait3A_181, %dma_wait3A_182] : memref<51200x32xf32, #tpu.memory_space<vmem_shared>> -> memref<51200x32xf32, #tpu.memory_space<vmem_shared>>
            tpu.wait_indirect_dma semaphore(%arg19 : memref<!tpu.dma_semaphore, #tpu.memory_space<semaphore_mem>>) src(%arg10 : memref<128x32xf32, #tpu.memory_space<vmem>>) dst(%dma_wait3A_183 : memref<51200x32xf32, #tpu.memory_space<vmem_shared>>)
          } else {
          }
          %add3A_168 = arith.constant 2 : i32
          %add3A_169 = arith.addi %add3A_71, %add3A_168 : i32
          %dma_start3A_170 = arith.constant 0 : i32
          %dma_start3A_171 = tpu.memref_slice %arg6[%add3A_169, %dma_start3A_170] : memref<28x128xi32, #tpu.memory_space<vmem>> -> memref<1x128xi32, #tpu.memory_space<vmem>>
          %dma_start3A_172 = tpu.memref_squeeze %dma_start3A_171 : memref<1x128xi32, #tpu.memory_space<vmem>> -> memref<128xi32, #tpu.memory_space<vmem>>
          %dma_start3A_173 = arith.constant 0 : i32
          %dma_start3A_174 = arith.constant 0 : i32
          %dma_start3A_175 = tpu.memref_slice %arg2[%dma_start3A_173, %dma_start3A_174] : memref<51200x32xf32, #tpu.memory_space<hbm>> -> memref<51200x32xf32, #tpu.memory_space<hbm>>
          tpu.enqueue_indirect_dma source(%dma_start3A_175 : memref<51200x32xf32, #tpu.memory_space<hbm>>) target(%arg10 : memref<128x32xf32, #tpu.memory_space<vmem>>) offsets(%dma_start3A_172 : memref<128xi32, #tpu.memory_space<vmem>>) semaphore(%arg15 : memref<!tpu.dma_semaphore, #tpu.memory_space<semaphore_mem>>)
        } else {
        }
        %mul3A_90 = arith.constant 4 : i32
        %mul3A_91 = arith.muli %mul3A_90, %scan3A_66 : i32
        %add3A_92 = arith.constant 1 : i32
        %add3A_93 = arith.addi %mul3A_91, %add3A_92 : i32
        %dma_wait3A_94 = arith.constant 0 : i32
        %dma_wait3A_95 = tpu.memref_slice %arg6[%add3A_93, %dma_wait3A_94] : memref<28x128xi32, #tpu.memory_space<vmem>> -> memref<1x128xi32, #tpu.memory_space<vmem>>
        %dma_wait3A_96 = tpu.memref_squeeze %dma_wait3A_95 : memref<1x128xi32, #tpu.memory_space<vmem>> -> memref<128xi32, #tpu.memory_space<vmem>>
        %dma_wait3A_97 = arith.constant 0 : i32
        %dma_wait3A_98 = arith.constant 0 : i32
        %dma_wait3A_99 = tpu.memref_slice %arg2[%dma_wait3A_97, %dma_wait3A_98] : memref<51200x32xf32, #tpu.memory_space<hbm>> -> memref<51200x32xf32, #tpu.memory_space<hbm>>
        tpu.wait_indirect_dma semaphore(%arg14 : memref<!tpu.dma_semaphore, #tpu.memory_space<semaphore_mem>>) src(%dma_wait3A_99 : memref<51200x32xf32, #tpu.memory_space<hbm>>) dst(%arg9 : memref<128x32xf32, #tpu.memory_space<vmem>>)
        %add3A_100 = arith.addi %add3A_18, %add3A_93 : i32
        %lt3A_101 = arith.constant 6250 : i32
        %lt3A_102 = arith.cmpi slt, %add3A_100, %lt3A_101 : i32
        %convert_element_type3A_103 = arith.extui %lt3A_102 : i1 to i32
        %cond3A_104 = arith.constant 0 : i32
        %cond3A_105 = arith.cmpi ne, %convert_element_type3A_103, %cond3A_104 : i32
        scf.if %cond3A_105 {
          %dma_start3A_160 = arith.constant 0 : i32
          %dma_start3A_161 = tpu.memref_slice %arg7[%add3A_93, %dma_start3A_160] : memref<28x128xi32, #tpu.memory_space<vmem>> -> memref<1x128xi32, #tpu.memory_space<vmem>>
          %dma_start3A_162 = tpu.memref_squeeze %dma_start3A_161 : memref<1x128xi32, #tpu.memory_space<vmem>> -> memref<128xi32, #tpu.memory_space<vmem>>
          %dma_start3A_163 = arith.constant 0 : i32
          %dma_start3A_164 = arith.constant 0 : i32
          %dma_start3A_165 = tpu.memref_slice %arg12[%dma_start3A_163, %dma_start3A_164] : memref<51200x32xf32, #tpu.memory_space<vmem_shared>> -> memref<51200x32xf32, #tpu.memory_space<vmem_shared>>
          tpu.enqueue_indirect_dma source(%arg9 : memref<128x32xf32, #tpu.memory_space<vmem>>) target(%dma_start3A_165 : memref<51200x32xf32, #tpu.memory_space<vmem_shared>>) offsets(%dma_start3A_162 : memref<128xi32, #tpu.memory_space<vmem>>) semaphore(%arg18 : memref<!tpu.dma_semaphore, #tpu.memory_space<semaphore_mem>>) {add = true}
        } else {
        }
        %add3A_106 = arith.constant 2 : i32
        %add3A_107 = arith.addi %add3A_93, %add3A_106 : i32
        %lt3A_108 = arith.constant 28 : i32
        %lt3A_109 = arith.cmpi slt, %add3A_107, %lt3A_108 : i32
        %convert_element_type3A_110 = arith.extui %lt3A_109 : i1 to i32
        %cond3A_111 = arith.constant 0 : i32
        %cond3A_112 = arith.cmpi ne, %convert_element_type3A_110, %cond3A_111 : i32
        scf.if %cond3A_112 {
          %ge3A = arith.constant 2 : i32
          %ge3A_160 = arith.cmpi sge, %add3A_93, %ge3A : i32
          %add3A_161 = arith.addi %add3A_18, %add3A_93 : i32
          %sub3A = arith.constant 2 : i32
          %sub3A_162 = arith.subi %add3A_161, %sub3A : i32
          %lt3A_163 = arith.constant 6250 : i32
          %lt3A_164 = arith.cmpi slt, %sub3A_162, %lt3A_163 : i32
          %and3A = arith.andi %ge3A_160, %lt3A_164 : i1
          %convert_element_type3A_165 = arith.extui %and3A : i1 to i32
          %cond3A_166 = arith.constant 0 : i32
          %cond3A_167 = arith.cmpi ne, %convert_element_type3A_165, %cond3A_166 : i32
          scf.if %cond3A_167 {
            %sub3A_176 = arith.constant 2 : i32
            %sub3A_177 = arith.subi %add3A_93, %sub3A_176 : i32
            %dma_wait3A_178 = arith.constant 0 : i32
            %dma_wait3A_179 = tpu.memref_slice %arg7[%sub3A_177, %dma_wait3A_178] : memref<28x128xi32, #tpu.memory_space<vmem>> -> memref<1x128xi32, #tpu.memory_space<vmem>>
            %dma_wait3A_180 = tpu.memref_squeeze %dma_wait3A_179 : memref<1x128xi32, #tpu.memory_space<vmem>> -> memref<128xi32, #tpu.memory_space<vmem>>
            %dma_wait3A_181 = arith.constant 0 : i32
            %dma_wait3A_182 = arith.constant 0 : i32
            %dma_wait3A_183 = tpu.memref_slice %arg12[%dma_wait3A_181, %dma_wait3A_182] : memref<51200x32xf32, #tpu.memory_space<vmem_shared>> -> memref<51200x32xf32, #tpu.memory_space<vmem_shared>>
            tpu.wait_indirect_dma semaphore(%arg20 : memref<!tpu.dma_semaphore, #tpu.memory_space<semaphore_mem>>) src(%arg11 : memref<128x32xf32, #tpu.memory_space<vmem>>) dst(%dma_wait3A_183 : memref<51200x32xf32, #tpu.memory_space<vmem_shared>>)
          } else {
          }
          %add3A_168 = arith.constant 2 : i32
          %add3A_169 = arith.addi %add3A_93, %add3A_168 : i32
          %dma_start3A_170 = arith.constant 0 : i32
          %dma_start3A_171 = tpu.memref_slice %arg6[%add3A_169, %dma_start3A_170] : memref<28x128xi32, #tpu.memory_space<vmem>> -> memref<1x128xi32, #tpu.memory_space<vmem>>
          %dma_start3A_172 = tpu.memref_squeeze %dma_start3A_171 : memref<1x128xi32, #tpu.memory_space<vmem>> -> memref<128xi32, #tpu.memory_space<vmem>>
          %dma_start3A_173 = arith.constant 0 : i32
          %dma_start3A_174 = arith.constant 0 : i32
          %dma_start3A_175 = tpu.memref_slice %arg2[%dma_start3A_173, %dma_start3A_174] : memref<51200x32xf32, #tpu.memory_space<hbm>> -> memref<51200x32xf32, #tpu.memory_space<hbm>>
          tpu.enqueue_indirect_dma source(%dma_start3A_175 : memref<51200x32xf32, #tpu.memory_space<hbm>>) target(%arg11 : memref<128x32xf32, #tpu.memory_space<vmem>>) offsets(%dma_start3A_172 : memref<128xi32, #tpu.memory_space<vmem>>) semaphore(%arg16 : memref<!tpu.dma_semaphore, #tpu.memory_space<semaphore_mem>>)
        } else {
        }
        %mul3A_113 = arith.constant 4 : i32
        %mul3A_114 = arith.muli %mul3A_113, %scan3A_66 : i32
        %add3A_115 = arith.constant 2 : i32
        %add3A_116 = arith.addi %mul3A_114, %add3A_115 : i32
        %dma_wait3A_117 = arith.constant 0 : i32
        %dma_wait3A_118 = tpu.memref_slice %arg6[%add3A_116, %dma_wait3A_117] : memref<28x128xi32, #tpu.memory_space<vmem>> -> memref<1x128xi32, #tpu.memory_space<vmem>>
        %dma_wait3A_119 = tpu.memref_squeeze %dma_wait3A_118 : memref<1x128xi32, #tpu.memory_space<vmem>> -> memref<128xi32, #tpu.memory_space<vmem>>
        %dma_wait3A_120 = arith.constant 0 : i32
        %dma_wait3A_121 = arith.constant 0 : i32
        %dma_wait3A_122 = tpu.memref_slice %arg2[%dma_wait3A_120, %dma_wait3A_121] : memref<51200x32xf32, #tpu.memory_space<hbm>> -> memref<51200x32xf32, #tpu.memory_space<hbm>>
        tpu.wait_indirect_dma semaphore(%arg15 : memref<!tpu.dma_semaphore, #tpu.memory_space<semaphore_mem>>) src(%dma_wait3A_122 : memref<51200x32xf32, #tpu.memory_space<hbm>>) dst(%arg10 : memref<128x32xf32, #tpu.memory_space<vmem>>)
        %add3A_123 = arith.addi %add3A_18, %add3A_116 : i32
        %lt3A_124 = arith.constant 6250 : i32
        %lt3A_125 = arith.cmpi slt, %add3A_123, %lt3A_124 : i32
        %convert_element_type3A_126 = arith.extui %lt3A_125 : i1 to i32
        %cond3A_127 = arith.constant 0 : i32
        %cond3A_128 = arith.cmpi ne, %convert_element_type3A_126, %cond3A_127 : i32
        scf.if %cond3A_128 {
          %dma_start3A_160 = arith.constant 0 : i32
          %dma_start3A_161 = tpu.memref_slice %arg7[%add3A_116, %dma_start3A_160] : memref<28x128xi32, #tpu.memory_space<vmem>> -> memref<1x128xi32, #tpu.memory_space<vmem>>
          %dma_start3A_162 = tpu.memref_squeeze %dma_start3A_161 : memref<1x128xi32, #tpu.memory_space<vmem>> -> memref<128xi32, #tpu.memory_space<vmem>>
          %dma_start3A_163 = arith.constant 0 : i32
          %dma_start3A_164 = arith.constant 0 : i32
          %dma_start3A_165 = tpu.memref_slice %arg12[%dma_start3A_163, %dma_start3A_164] : memref<51200x32xf32, #tpu.memory_space<vmem_shared>> -> memref<51200x32xf32, #tpu.memory_space<vmem_shared>>
          tpu.enqueue_indirect_dma source(%arg10 : memref<128x32xf32, #tpu.memory_space<vmem>>) target(%dma_start3A_165 : memref<51200x32xf32, #tpu.memory_space<vmem_shared>>) offsets(%dma_start3A_162 : memref<128xi32, #tpu.memory_space<vmem>>) semaphore(%arg19 : memref<!tpu.dma_semaphore, #tpu.memory_space<semaphore_mem>>) {add = true}
        } else {
        }
        %add3A_129 = arith.constant 2 : i32
        %add3A_130 = arith.addi %add3A_116, %add3A_129 : i32
        %lt3A_131 = arith.constant 28 : i32
        %lt3A_132 = arith.cmpi slt, %add3A_130, %lt3A_131 : i32
        %convert_element_type3A_133 = arith.extui %lt3A_132 : i1 to i32
        %cond3A_134 = arith.constant 0 : i32
        %cond3A_135 = arith.cmpi ne, %convert_element_type3A_133, %cond3A_134 : i32
        scf.if %cond3A_135 {
          %ge3A = arith.constant 2 : i32
          %ge3A_160 = arith.cmpi sge, %add3A_116, %ge3A : i32
          %add3A_161 = arith.addi %add3A_18, %add3A_116 : i32
          %sub3A = arith.constant 2 : i32
          %sub3A_162 = arith.subi %add3A_161, %sub3A : i32
          %lt3A_163 = arith.constant 6250 : i32
          %lt3A_164 = arith.cmpi slt, %sub3A_162, %lt3A_163 : i32
          %and3A = arith.andi %ge3A_160, %lt3A_164 : i1
          %convert_element_type3A_165 = arith.extui %and3A : i1 to i32
          %cond3A_166 = arith.constant 0 : i32
          %cond3A_167 = arith.cmpi ne, %convert_element_type3A_165, %cond3A_166 : i32
          scf.if %cond3A_167 {
            %sub3A_176 = arith.constant 2 : i32
            %sub3A_177 = arith.subi %add3A_116, %sub3A_176 : i32
            %dma_wait3A_178 = arith.constant 0 : i32
            %dma_wait3A_179 = tpu.memref_slice %arg7[%sub3A_177, %dma_wait3A_178] : memref<28x128xi32, #tpu.memory_space<vmem>> -> memref<1x128xi32, #tpu.memory_space<vmem>>
            %dma_wait3A_180 = tpu.memref_squeeze %dma_wait3A_179 : memref<1x128xi32, #tpu.memory_space<vmem>> -> memref<128xi32, #tpu.memory_space<vmem>>
            %dma_wait3A_181 = arith.constant 0 : i32
            %dma_wait3A_182 = arith.constant 0 : i32
            %dma_wait3A_183 = tpu.memref_slice %arg12[%dma_wait3A_181, %dma_wait3A_182] : memref<51200x32xf32, #tpu.memory_space<vmem_shared>> -> memref<51200x32xf32, #tpu.memory_space<vmem_shared>>
            tpu.wait_indirect_dma semaphore(%arg17 : memref<!tpu.dma_semaphore, #tpu.memory_space<semaphore_mem>>) src(%arg8 : memref<128x32xf32, #tpu.memory_space<vmem>>) dst(%dma_wait3A_183 : memref<51200x32xf32, #tpu.memory_space<vmem_shared>>)
          } else {
          }
          %add3A_168 = arith.constant 2 : i32
          %add3A_169 = arith.addi %add3A_116, %add3A_168 : i32
          %dma_start3A_170 = arith.constant 0 : i32
          %dma_start3A_171 = tpu.memref_slice %arg6[%add3A_169, %dma_start3A_170] : memref<28x128xi32, #tpu.memory_space<vmem>> -> memref<1x128xi32, #tpu.memory_space<vmem>>
          %dma_start3A_172 = tpu.memref_squeeze %dma_start3A_171 : memref<1x128xi32, #tpu.memory_space<vmem>> -> memref<128xi32, #tpu.memory_space<vmem>>
          %dma_start3A_173 = arith.constant 0 : i32
          %dma_start3A_174 = arith.constant 0 : i32
          %dma_start3A_175 = tpu.memref_slice %arg2[%dma_start3A_173, %dma_start3A_174] : memref<51200x32xf32, #tpu.memory_space<hbm>> -> memref<51200x32xf32, #tpu.memory_space<hbm>>
          tpu.enqueue_indirect_dma source(%dma_start3A_175 : memref<51200x32xf32, #tpu.memory_space<hbm>>) target(%arg8 : memref<128x32xf32, #tpu.memory_space<vmem>>) offsets(%dma_start3A_172 : memref<128xi32, #tpu.memory_space<vmem>>) semaphore(%arg13 : memref<!tpu.dma_semaphore, #tpu.memory_space<semaphore_mem>>)
        } else {
        }
        %mul3A_136 = arith.constant 4 : i32
        %mul3A_137 = arith.muli %mul3A_136, %scan3A_66 : i32
        %add3A_138 = arith.constant 3 : i32
        %add3A_139 = arith.addi %mul3A_137, %add3A_138 : i32
        %dma_wait3A_140 = arith.constant 0 : i32
        %dma_wait3A_141 = tpu.memref_slice %arg6[%add3A_139, %dma_wait3A_140] : memref<28x128xi32, #tpu.memory_space<vmem>> -> memref<1x128xi32, #tpu.memory_space<vmem>>
        %dma_wait3A_142 = tpu.memref_squeeze %dma_wait3A_141 : memref<1x128xi32, #tpu.memory_space<vmem>> -> memref<128xi32, #tpu.memory_space<vmem>>
        %dma_wait3A_143 = arith.constant 0 : i32
        %dma_wait3A_144 = arith.constant 0 : i32
        %dma_wait3A_145 = tpu.memref_slice %arg2[%dma_wait3A_143, %dma_wait3A_144] : memref<51200x32xf32, #tpu.memory_space<hbm>> -> memref<51200x32xf32, #tpu.memory_space<hbm>>
        tpu.wait_indirect_dma semaphore(%arg16 : memref<!tpu.dma_semaphore, #tpu.memory_space<semaphore_mem>>) src(%dma_wait3A_145 : memref<51200x32xf32, #tpu.memory_space<hbm>>) dst(%arg11 : memref<128x32xf32, #tpu.memory_space<vmem>>)
        %add3A_146 = arith.addi %add3A_18, %add3A_139 : i32
        %lt3A_147 = arith.constant 6250 : i32
        %lt3A_148 = arith.cmpi slt, %add3A_146, %lt3A_147 : i32
        %convert_element_type3A_149 = arith.extui %lt3A_148 : i1 to i32
        %cond3A_150 = arith.constant 0 : i32
        %cond3A_151 = arith.cmpi ne, %convert_element_type3A_149, %cond3A_150 : i32
        scf.if %cond3A_151 {
          %dma_start3A_160 = arith.constant 0 : i32
          %dma_start3A_161 = tpu.memref_slice %arg7[%add3A_139, %dma_start3A_160] : memref<28x128xi32, #tpu.memory_space<vmem>> -> memref<1x128xi32, #tpu.memory_space<vmem>>
          %dma_start3A_162 = tpu.memref_squeeze %dma_start3A_161 : memref<1x128xi32, #tpu.memory_space<vmem>> -> memref<128xi32, #tpu.memory_space<vmem>>
          %dma_start3A_163 = arith.constant 0 : i32
          %dma_start3A_164 = arith.constant 0 : i32
          %dma_start3A_165 = tpu.memref_slice %arg12[%dma_start3A_163, %dma_start3A_164] : memref<51200x32xf32, #tpu.memory_space<vmem_shared>> -> memref<51200x32xf32, #tpu.memory_space<vmem_shared>>
          tpu.enqueue_indirect_dma source(%arg11 : memref<128x32xf32, #tpu.memory_space<vmem>>) target(%dma_start3A_165 : memref<51200x32xf32, #tpu.memory_space<vmem_shared>>) offsets(%dma_start3A_162 : memref<128xi32, #tpu.memory_space<vmem>>) semaphore(%arg20 : memref<!tpu.dma_semaphore, #tpu.memory_space<semaphore_mem>>) {add = true}
        } else {
        }
        %add3A_152 = arith.constant 2 : i32
        %add3A_153 = arith.addi %add3A_139, %add3A_152 : i32
        %lt3A_154 = arith.constant 28 : i32
        %lt3A_155 = arith.cmpi slt, %add3A_153, %lt3A_154 : i32
        %convert_element_type3A_156 = arith.extui %lt3A_155 : i1 to i32
        %cond3A_157 = arith.constant 0 : i32
        %cond3A_158 = arith.cmpi ne, %convert_element_type3A_156, %cond3A_157 : i32
        scf.if %cond3A_158 {
          %ge3A = arith.constant 2 : i32
          %ge3A_160 = arith.cmpi sge, %add3A_139, %ge3A : i32
          %add3A_161 = arith.addi %add3A_18, %add3A_139 : i32
          %sub3A = arith.constant 2 : i32
          %sub3A_162 = arith.subi %add3A_161, %sub3A : i32
          %lt3A_163 = arith.constant 6250 : i32
          %lt3A_164 = arith.cmpi slt, %sub3A_162, %lt3A_163 : i32
          %and3A = arith.andi %ge3A_160, %lt3A_164 : i1
          %convert_element_type3A_165 = arith.extui %and3A : i1 to i32
          %cond3A_166 = arith.constant 0 : i32
          %cond3A_167 = arith.cmpi ne, %convert_element_type3A_165, %cond3A_166 : i32
          scf.if %cond3A_167 {
            %sub3A_176 = arith.constant 2 : i32
            %sub3A_177 = arith.subi %add3A_139, %sub3A_176 : i32
            %dma_wait3A_178 = arith.constant 0 : i32
            %dma_wait3A_179 = tpu.memref_slice %arg7[%sub3A_177, %dma_wait3A_178] : memref<28x128xi32, #tpu.memory_space<vmem>> -> memref<1x128xi32, #tpu.memory_space<vmem>>
            %dma_wait3A_180 = tpu.memref_squeeze %dma_wait3A_179 : memref<1x128xi32, #tpu.memory_space<vmem>> -> memref<128xi32, #tpu.memory_space<vmem>>
            %dma_wait3A_181 = arith.constant 0 : i32
            %dma_wait3A_182 = arith.constant 0 : i32
            %dma_wait3A_183 = tpu.memref_slice %arg12[%dma_wait3A_181, %dma_wait3A_182] : memref<51200x32xf32, #tpu.memory_space<vmem_shared>> -> memref<51200x32xf32, #tpu.memory_space<vmem_shared>>
            tpu.wait_indirect_dma semaphore(%arg18 : memref<!tpu.dma_semaphore, #tpu.memory_space<semaphore_mem>>) src(%arg9 : memref<128x32xf32, #tpu.memory_space<vmem>>) dst(%dma_wait3A_183 : memref<51200x32xf32, #tpu.memory_space<vmem_shared>>)
          } else {
          }
          %add3A_168 = arith.constant 2 : i32
          %add3A_169 = arith.addi %add3A_139, %add3A_168 : i32
          %dma_start3A_170 = arith.constant 0 : i32
          %dma_start3A_171 = tpu.memref_slice %arg6[%add3A_169, %dma_start3A_170] : memref<28x128xi32, #tpu.memory_space<vmem>> -> memref<1x128xi32, #tpu.memory_space<vmem>>
          %dma_start3A_172 = tpu.memref_squeeze %dma_start3A_171 : memref<1x128xi32, #tpu.memory_space<vmem>> -> memref<128xi32, #tpu.memory_space<vmem>>
          %dma_start3A_173 = arith.constant 0 : i32
          %dma_start3A_174 = arith.constant 0 : i32
          %dma_start3A_175 = tpu.memref_slice %arg2[%dma_start3A_173, %dma_start3A_174] : memref<51200x32xf32, #tpu.memory_space<hbm>> -> memref<51200x32xf32, #tpu.memory_space<hbm>>
          tpu.enqueue_indirect_dma source(%dma_start3A_175 : memref<51200x32xf32, #tpu.memory_space<hbm>>) target(%arg9 : memref<128x32xf32, #tpu.memory_space<vmem>>) offsets(%dma_start3A_172 : memref<128xi32, #tpu.memory_space<vmem>>) semaphore(%arg14 : memref<!tpu.dma_semaphore, #tpu.memory_space<semaphore_mem>>)
        } else {
        }
        %scan3A_159 = arith.constant 0 : i32
        scf.yield %scan3A_159 : i32
      }
      %scan3A_39 = arith.constant 7 : i32
      %add3A_40 = arith.constant 24 : i32
      %add3A_41 = arith.addi %add3A_18, %add3A_40 : i32
      %lt3A = arith.constant 6250 : i32
      %lt3A_42 = arith.cmpi slt, %add3A_41, %lt3A : i32
      %convert_element_type3A = arith.extui %lt3A_42 : i1 to i32
      %cond3A = arith.constant 0 : i32
      %cond3A_43 = arith.cmpi ne, %convert_element_type3A, %cond3A : i32
      scf.if %cond3A_43 {
        %dma_wait3A = arith.constant 24 : i32
        %dma_wait3A_66 = arith.constant 0 : i32
        %dma_wait3A_67 = tpu.memref_slice %arg7[%dma_wait3A, %dma_wait3A_66] : memref<28x128xi32, #tpu.memory_space<vmem>> -> memref<1x128xi32, #tpu.memory_space<vmem>>
        %dma_wait3A_68 = tpu.memref_squeeze %dma_wait3A_67 : memref<1x128xi32, #tpu.memory_space<vmem>> -> memref<128xi32, #tpu.memory_space<vmem>>
        %dma_wait3A_69 = arith.constant 0 : i32
        %dma_wait3A_70 = arith.constant 0 : i32
        %dma_wait3A_71 = tpu.memref_slice %arg12[%dma_wait3A_69, %dma_wait3A_70] : memref<51200x32xf32, #tpu.memory_space<vmem_shared>> -> memref<51200x32xf32, #tpu.memory_space<vmem_shared>>
        tpu.wait_indirect_dma semaphore(%arg17 : memref<!tpu.dma_semaphore, #tpu.memory_space<semaphore_mem>>) src(%arg8 : memref<128x32xf32, #tpu.memory_space<vmem>>) dst(%dma_wait3A_71 : memref<51200x32xf32, #tpu.memory_space<vmem_shared>>)
      } else {
      }
      %add3A_44 = arith.constant 25 : i32
      %add3A_45 = arith.addi %add3A_18, %add3A_44 : i32
      %lt3A_46 = arith.constant 6250 : i32
      %lt3A_47 = arith.cmpi slt, %add3A_45, %lt3A_46 : i32
      %convert_element_type3A_48 = arith.extui %lt3A_47 : i1 to i32
      %cond3A_49 = arith.constant 0 : i32
      %cond3A_50 = arith.cmpi ne, %convert_element_type3A_48, %cond3A_49 : i32
      scf.if %cond3A_50 {
        %dma_wait3A = arith.constant 25 : i32
        %dma_wait3A_66 = arith.constant 0 : i32
        %dma_wait3A_67 = tpu.memref_slice %arg7[%dma_wait3A, %dma_wait3A_66] : memref<28x128xi32, #tpu.memory_space<vmem>> -> memref<1x128xi32, #tpu.memory_space<vmem>>
        %dma_wait3A_68 = tpu.memref_squeeze %dma_wait3A_67 : memref<1x128xi32, #tpu.memory_space<vmem>> -> memref<128xi32, #tpu.memory_space<vmem>>
        %dma_wait3A_69 = arith.constant 0 : i32
        %dma_wait3A_70 = arith.constant 0 : i32
        %dma_wait3A_71 = tpu.memref_slice %arg12[%dma_wait3A_69, %dma_wait3A_70] : memref<51200x32xf32, #tpu.memory_space<vmem_shared>> -> memref<51200x32xf32, #tpu.memory_space<vmem_shared>>
        tpu.wait_indirect_dma semaphore(%arg18 : memref<!tpu.dma_semaphore, #tpu.memory_space<semaphore_mem>>) src(%arg9 : memref<128x32xf32, #tpu.memory_space<vmem>>) dst(%dma_wait3A_71 : memref<51200x32xf32, #tpu.memory_space<vmem_shared>>)
      } else {
      }
      %add3A_51 = arith.constant 26 : i32
      %add3A_52 = arith.addi %add3A_18, %add3A_51 : i32
      %lt3A_53 = arith.constant 6250 : i32
      %lt3A_54 = arith.cmpi slt, %add3A_52, %lt3A_53 : i32
      %convert_element_type3A_55 = arith.extui %lt3A_54 : i1 to i32
      %cond3A_56 = arith.constant 0 : i32
      %cond3A_57 = arith.cmpi ne, %convert_element_type3A_55, %cond3A_56 : i32
      scf.if %cond3A_57 {
        %dma_wait3A = arith.constant 26 : i32
        %dma_wait3A_66 = arith.constant 0 : i32
        %dma_wait3A_67 = tpu.memref_slice %arg7[%dma_wait3A, %dma_wait3A_66] : memref<28x128xi32, #tpu.memory_space<vmem>> -> memref<1x128xi32, #tpu.memory_space<vmem>>
        %dma_wait3A_68 = tpu.memref_squeeze %dma_wait3A_67 : memref<1x128xi32, #tpu.memory_space<vmem>> -> memref<128xi32, #tpu.memory_space<vmem>>
        %dma_wait3A_69 = arith.constant 0 : i32
        %dma_wait3A_70 = arith.constant 0 : i32
        %dma_wait3A_71 = tpu.memref_slice %arg12[%dma_wait3A_69, %dma_wait3A_70] : memref<51200x32xf32, #tpu.memory_space<vmem_shared>> -> memref<51200x32xf32, #tpu.memory_space<vmem_shared>>
        tpu.wait_indirect_dma semaphore(%arg19 : memref<!tpu.dma_semaphore, #tpu.memory_space<semaphore_mem>>) src(%arg10 : memref<128x32xf32, #tpu.memory_space<vmem>>) dst(%dma_wait3A_71 : memref<51200x32xf32, #tpu.memory_space<vmem_shared>>)
      } else {
      }
      %add3A_58 = arith.constant 27 : i32
      %add3A_59 = arith.addi %add3A_18, %add3A_58 : i32
      %lt3A_60 = arith.constant 6250 : i32
      %lt3A_61 = arith.cmpi slt, %add3A_59, %lt3A_60 : i32
      %convert_element_type3A_62 = arith.extui %lt3A_61 : i1 to i32
      %cond3A_63 = arith.constant 0 : i32
      %cond3A_64 = arith.cmpi ne, %convert_element_type3A_62, %cond3A_63 : i32
      scf.if %cond3A_64 {
        %dma_wait3A = arith.constant 27 : i32
        %dma_wait3A_66 = arith.constant 0 : i32
        %dma_wait3A_67 = tpu.memref_slice %arg7[%dma_wait3A, %dma_wait3A_66] : memref<28x128xi32, #tpu.memory_space<vmem>> -> memref<1x128xi32, #tpu.memory_space<vmem>>
        %dma_wait3A_68 = tpu.memref_squeeze %dma_wait3A_67 : memref<1x128xi32, #tpu.memory_space<vmem>> -> memref<128xi32, #tpu.memory_space<vmem>>
        %dma_wait3A_69 = arith.constant 0 : i32
        %dma_wait3A_70 = arith.constant 0 : i32
        %dma_wait3A_71 = tpu.memref_slice %arg12[%dma_wait3A_69, %dma_wait3A_70] : memref<51200x32xf32, #tpu.memory_space<vmem_shared>> -> memref<51200x32xf32, #tpu.memory_space<vmem_shared>>
        tpu.wait_indirect_dma semaphore(%arg20 : memref<!tpu.dma_semaphore, #tpu.memory_space<semaphore_mem>>) src(%arg11 : memref<128x32xf32, #tpu.memory_space<vmem>>) dst(%dma_wait3A_71 : memref<51200x32xf32, #tpu.memory_space<vmem_shared>>)
      } else {
      }
      %scan3A_65 = arith.constant 0 : i32
      scf.yield %scan3A_65 : i32
    }
    %scan3A_8 = arith.constant 7 : i32
    %barrier3A_9 = arith.constant 0 : index
    tpu.barrier barrier_id(%barrier3A_9)
    %mul3A_10 = arith.constant 2500 : i32
    %mul3A_11 = arith.muli %arg1, %mul3A_10 : i32
    "tpu.region"() ({
      %run_scoped3A = tpu.sem_alloc : memref<!tpu.dma_semaphore, #tpu.memory_space<semaphore_mem>>
      %dma_start3A = arith.constant 0 : i32
      %dma_start3A_12 = tpu.memref_slice %arg5[%arg0, %mul3A_11, %dma_start3A] : memref<2x40000x32xf32, #tpu.memory_space<hbm>> -> memref<1x2500x32xf32, #tpu.memory_space<hbm>>
      %dma_start3A_13 = tpu.memref_squeeze %dma_start3A_12 : memref<1x2500x32xf32, #tpu.memory_space<hbm>> -> memref<2500x32xf32, #tpu.memory_space<hbm>>
      %dma_start3A_14 = arith.constant 0 : i32
      %dma_start3A_15 = tpu.memref_slice %arg12[%mul3A_11, %dma_start3A_14] : memref<51200x32xf32, #tpu.memory_space<vmem_shared>> -> memref<2500x32xf32, #tpu.memory_space<vmem_shared>>
      tpu.enqueue_dma source(%dma_start3A_15 : memref<2500x32xf32, #tpu.memory_space<vmem_shared>>) target(%dma_start3A_13 : memref<2500x32xf32, #tpu.memory_space<hbm>>) target_semaphore(%run_scoped3A : memref<!tpu.dma_semaphore, #tpu.memory_space<semaphore_mem>>)
      %dma_wait3A = arith.constant 0 : i32
      %dma_wait3A_16 = tpu.memref_slice %arg5[%arg0, %mul3A_11, %dma_wait3A] : memref<2x40000x32xf32, #tpu.memory_space<hbm>> -> memref<1x2500x32xf32, #tpu.memory_space<hbm>>
      %dma_wait3A_17 = tpu.memref_squeeze %dma_wait3A_16 : memref<1x2500x32xf32, #tpu.memory_space<hbm>> -> memref<2500x32xf32, #tpu.memory_space<hbm>>
      %dma_wait3A_18 = arith.constant 0 : i32
      %dma_wait3A_19 = tpu.memref_slice %arg12[%mul3A_11, %dma_wait3A_18] : memref<51200x32xf32, #tpu.memory_space<vmem_shared>> -> memref<2500x32xf32, #tpu.memory_space<vmem_shared>>
      tpu.wait_dma2 semaphore(%run_scoped3A : memref<!tpu.dma_semaphore, #tpu.memory_space<semaphore_mem>>) src(%dma_wait3A_19 : memref<2500x32xf32, #tpu.memory_space<vmem_shared>>) dst(%dma_wait3A_17 : memref<2500x32xf32, #tpu.memory_space<hbm>>)
      tpu.yield
    }) : () -> ()
    return
  }
}

#map = affine_map<(d0, d1) -> (0, 0, 0)>
#map1 = affine_map<(d0, d1) -> (0, 0)>
module attributes {stable_mosaic.version = 14 : i64} {
  func.func @_deg_body(%arg0: i32, %arg1: i32, %arg2: memref<2x6272x128xi32, #tpu.memory_space<hbm>>, %arg3: memref<51200x16xf32, #tpu.memory_space<hbm>>, %arg4: memref<2x51200xf32, #tpu.memory_space<hbm>>, %arg5: memref<98x128xi32, #tpu.memory_space<vmem>>, %arg6: memref<2x128x16xf32, #tpu.memory_space<vmem>>, %arg7: memref<51200x16xf32, #tpu.memory_space<vmem_shared>>, %arg8: memref<3200x16xf32, #tpu.memory_space<vmem>>, %arg9: memref<3200xf32, #tpu.memory_space<vmem>>, %arg10: memref<!tpu.dma_semaphore, #tpu.memory_space<semaphore_mem>>, %arg11: memref<!tpu.dma_semaphore, #tpu.memory_space<semaphore_mem>>, %arg12: memref<!tpu.dma_semaphore, #tpu.memory_space<semaphore_mem>>, %arg13: memref<!tpu.dma_semaphore, #tpu.memory_space<semaphore_mem>>) attributes {dimension_semantics = [#tpu.dimension_semantics<core_parallel>, #tpu.dimension_semantics<subcore_parallel>], iteration_bounds = array<i64: 2, 16>, scalar_prefetch = 0 : i64, scratch_operands = 9 : i64, tpu.core_type = #tpu.core_type<sc_vector_subcore>, window_params = [{transform_indices = #map}, {transform_indices = #map1}, {transform_indices = #map1}]} {
    %mul3A = arith.constant 16 : i32
    %mul3A_0 = arith.muli %arg0, %mul3A : i32
    %add3A = arith.addi %mul3A_0, %arg1 : i32
    %mul3A_1 = arith.constant 3200 : i32
    %mul3A_2 = arith.muli %arg1, %mul3A_1 : i32
    "tpu.region"() ({
      %run_scoped3A = tpu.sem_alloc : memref<!tpu.dma_semaphore, #tpu.memory_space<semaphore_mem>>
      %dma_start3A = arith.constant 0 : i32
      %dma_start3A_29 = tpu.memref_slice %arg7[%mul3A_2, %dma_start3A] : memref<51200x16xf32, #tpu.memory_space<vmem_shared>> -> memref<3200x16xf32, #tpu.memory_space<vmem_shared>>
      %dma_start3A_30 = arith.constant 0 : i32
      %dma_start3A_31 = tpu.memref_slice %arg3[%mul3A_2, %dma_start3A_30] : memref<51200x16xf32, #tpu.memory_space<hbm>> -> memref<3200x16xf32, #tpu.memory_space<hbm>>
      tpu.enqueue_dma source(%dma_start3A_31 : memref<3200x16xf32, #tpu.memory_space<hbm>>) target(%dma_start3A_29 : memref<3200x16xf32, #tpu.memory_space<vmem_shared>>) target_semaphore(%run_scoped3A : memref<!tpu.dma_semaphore, #tpu.memory_space<semaphore_mem>>)
      %dma_wait3A = arith.constant 0 : i32
      %dma_wait3A_32 = tpu.memref_slice %arg7[%mul3A_2, %dma_wait3A] : memref<51200x16xf32, #tpu.memory_space<vmem_shared>> -> memref<3200x16xf32, #tpu.memory_space<vmem_shared>>
      %dma_wait3A_33 = arith.constant 0 : i32
      %dma_wait3A_34 = tpu.memref_slice %arg3[%mul3A_2, %dma_wait3A_33] : memref<51200x16xf32, #tpu.memory_space<hbm>> -> memref<3200x16xf32, #tpu.memory_space<hbm>>
      tpu.wait_dma2 semaphore(%run_scoped3A : memref<!tpu.dma_semaphore, #tpu.memory_space<semaphore_mem>>) src(%dma_wait3A_34 : memref<3200x16xf32, #tpu.memory_space<hbm>>) dst(%dma_wait3A_32 : memref<3200x16xf32, #tpu.memory_space<vmem_shared>>)
      tpu.yield
    }) : () -> ()
    %broadcast_in_dim3A = arith.constant 1.000000e+00 : f32
    %broadcast_in_dim3A_3 = vector.broadcast %broadcast_in_dim3A : f32 to vector<16xf32>
    %scan3A = arith.constant 0 : i32
    %scan3A_4 = arith.constant 0 : i32
    %scan3A_5 = arith.constant 128 : i32
    %scan3A_6 = arith.addi %scan3A_4, %scan3A_5 : i32
    %scan3A_7 = arith.constant 8 : i32
    %scan3A_8 = scf.for %scan3A_29 = %scan3A_4 to %scan3A_6 step %scan3A_7 iter_args(%scan3A_30 = %scan3A) -> (i32)  : i32 {
      %swap3A = arith.constant 0 : i32
      %swap3A_31 = arith.index_cast %swap3A : i32 to index
      %swap3A_32 = arith.index_cast %scan3A_29 : i32 to index
      %swap3A_33 = arith.constant 0 : index
      %swap3A_34 = tpu.vector_load %arg6[%swap3A_31, %swap3A_32, %swap3A_33] {strides = array<i32>} : memref<2x128x16xf32, #tpu.memory_space<vmem>>, vector<16xf32>,
      tpu.vector_store %arg6[%swap3A_31, %swap3A_32, %swap3A_33], %broadcast_in_dim3A_3 {strides = array<i32>} : memref<2x128x16xf32, #tpu.memory_space<vmem>>, vector<16xf32>,
      %swap3A_35 = arith.constant 1 : i32
      %swap3A_36 = arith.index_cast %swap3A_35 : i32 to index
      %swap3A_37 = arith.index_cast %scan3A_29 : i32 to index
      %swap3A_38 = arith.constant 0 : index
      %swap3A_39 = tpu.vector_load %arg6[%swap3A_36, %swap3A_37, %swap3A_38] {strides = array<i32>} : memref<2x128x16xf32, #tpu.memory_space<vmem>>, vector<16xf32>,
      tpu.vector_store %arg6[%swap3A_36, %swap3A_37, %swap3A_38], %broadcast_in_dim3A_3 {strides = array<i32>} : memref<2x128x16xf32, #tpu.memory_space<vmem>>, vector<16xf32>,
      %scan3A_40 = arith.constant 0 : i32
      %scan3A_41 = arith.constant 1 : i32
      %scan3A_42 = arith.addi %scan3A_29, %scan3A_41 : i32
      %swap3A_43 = arith.constant 0 : i32
      %swap3A_44 = arith.index_cast %swap3A_43 : i32 to index
      %swap3A_45 = arith.index_cast %scan3A_42 : i32 to index
      %swap3A_46 = arith.constant 0 : index
      %swap3A_47 = tpu.vector_load %arg6[%swap3A_44, %swap3A_45, %swap3A_46] {strides = array<i32>} : memref<2x128x16xf32, #tpu.memory_space<vmem>>, vector<16xf32>,
      tpu.vector_store %arg6[%swap3A_44, %swap3A_45, %swap3A_46], %broadcast_in_dim3A_3 {strides = array<i32>} : memref<2x128x16xf32, #tpu.memory_space<vmem>>, vector<16xf32>,
      %swap3A_48 = arith.constant 1 : i32
      %swap3A_49 = arith.index_cast %swap3A_48 : i32 to index
      %swap3A_50 = arith.index_cast %scan3A_42 : i32 to index
      %swap3A_51 = arith.constant 0 : index
      %swap3A_52 = tpu.vector_load %arg6[%swap3A_49, %swap3A_50, %swap3A_51] {strides = array<i32>} : memref<2x128x16xf32, #tpu.memory_space<vmem>>, vector<16xf32>,
      tpu.vector_store %arg6[%swap3A_49, %swap3A_50, %swap3A_51], %broadcast_in_dim3A_3 {strides = array<i32>} : memref<2x128x16xf32, #tpu.memory_space<vmem>>, vector<16xf32>,
      %scan3A_53 = arith.constant 0 : i32
      %scan3A_54 = arith.constant 2 : i32
      %scan3A_55 = arith.addi %scan3A_29, %scan3A_54 : i32
      %swap3A_56 = arith.constant 0 : i32
      %swap3A_57 = arith.index_cast %swap3A_56 : i32 to index
      %swap3A_58 = arith.index_cast %scan3A_55 : i32 to index
      %swap3A_59 = arith.constant 0 : index
      %swap3A_60 = tpu.vector_load %arg6[%swap3A_57, %swap3A_58, %swap3A_59] {strides = array<i32>} : memref<2x128x16xf32, #tpu.memory_space<vmem>>, vector<16xf32>,
      tpu.vector_store %arg6[%swap3A_57, %swap3A_58, %swap3A_59], %broadcast_in_dim3A_3 {strides = array<i32>} : memref<2x128x16xf32, #tpu.memory_space<vmem>>, vector<16xf32>,
      %swap3A_61 = arith.constant 1 : i32
      %swap3A_62 = arith.index_cast %swap3A_61 : i32 to index
      %swap3A_63 = arith.index_cast %scan3A_55 : i32 to index
      %swap3A_64 = arith.constant 0 : index
      %swap3A_65 = tpu.vector_load %arg6[%swap3A_62, %swap3A_63, %swap3A_64] {strides = array<i32>} : memref<2x128x16xf32, #tpu.memory_space<vmem>>, vector<16xf32>,
      tpu.vector_store %arg6[%swap3A_62, %swap3A_63, %swap3A_64], %broadcast_in_dim3A_3 {strides = array<i32>} : memref<2x128x16xf32, #tpu.memory_space<vmem>>, vector<16xf32>,
      %scan3A_66 = arith.constant 0 : i32
      %scan3A_67 = arith.constant 3 : i32
      %scan3A_68 = arith.addi %scan3A_29, %scan3A_67 : i32
      %swap3A_69 = arith.constant 0 : i32
      %swap3A_70 = arith.index_cast %swap3A_69 : i32 to index
      %swap3A_71 = arith.index_cast %scan3A_68 : i32 to index
      %swap3A_72 = arith.constant 0 : index
      %swap3A_73 = tpu.vector_load %arg6[%swap3A_70, %swap3A_71, %swap3A_72] {strides = array<i32>} : memref<2x128x16xf32, #tpu.memory_space<vmem>>, vector<16xf32>,
      tpu.vector_store %arg6[%swap3A_70, %swap3A_71, %swap3A_72], %broadcast_in_dim3A_3 {strides = array<i32>} : memref<2x128x16xf32, #tpu.memory_space<vmem>>, vector<16xf32>,
      %swap3A_74 = arith.constant 1 : i32
      %swap3A_75 = arith.index_cast %swap3A_74 : i32 to index
      %swap3A_76 = arith.index_cast %scan3A_68 : i32 to index
      %swap3A_77 = arith.constant 0 : index
      %swap3A_78 = tpu.vector_load %arg6[%swap3A_75, %swap3A_76, %swap3A_77] {strides = array<i32>} : memref<2x128x16xf32, #tpu.memory_space<vmem>>, vector<16xf32>,
      tpu.vector_store %arg6[%swap3A_75, %swap3A_76, %swap3A_77], %broadcast_in_dim3A_3 {strides = array<i32>} : memref<2x128x16xf32, #tpu.memory_space<vmem>>, vector<16xf32>,
      %scan3A_79 = arith.constant 0 : i32
      %scan3A_80 = arith.constant 4 : i32
      %scan3A_81 = arith.addi %scan3A_29, %scan3A_80 : i32
      %swap3A_82 = arith.constant 0 : i32
      %swap3A_83 = arith.index_cast %swap3A_82 : i32 to index
      %swap3A_84 = arith.index_cast %scan3A_81 : i32 to index
      %swap3A_85 = arith.constant 0 : index
      %swap3A_86 = tpu.vector_load %arg6[%swap3A_83, %swap3A_84, %swap3A_85] {strides = array<i32>} : memref<2x128x16xf32, #tpu.memory_space<vmem>>, vector<16xf32>,
      tpu.vector_store %arg6[%swap3A_83, %swap3A_84, %swap3A_85], %broadcast_in_dim3A_3 {strides = array<i32>} : memref<2x128x16xf32, #tpu.memory_space<vmem>>, vector<16xf32>,
      %swap3A_87 = arith.constant 1 : i32
      %swap3A_88 = arith.index_cast %swap3A_87 : i32 to index
      %swap3A_89 = arith.index_cast %scan3A_81 : i32 to index
      %swap3A_90 = arith.constant 0 : index
      %swap3A_91 = tpu.vector_load %arg6[%swap3A_88, %swap3A_89, %swap3A_90] {strides = array<i32>} : memref<2x128x16xf32, #tpu.memory_space<vmem>>, vector<16xf32>,
      tpu.vector_store %arg6[%swap3A_88, %swap3A_89, %swap3A_90], %broadcast_in_dim3A_3 {strides = array<i32>} : memref<2x128x16xf32, #tpu.memory_space<vmem>>, vector<16xf32>,
      %scan3A_92 = arith.constant 0 : i32
      %scan3A_93 = arith.constant 5 : i32
      %scan3A_94 = arith.addi %scan3A_29, %scan3A_93 : i32
      %swap3A_95 = arith.constant 0 : i32
      %swap3A_96 = arith.index_cast %swap3A_95 : i32 to index
      %swap3A_97 = arith.index_cast %scan3A_94 : i32 to index
      %swap3A_98 = arith.constant 0 : index
      %swap3A_99 = tpu.vector_load %arg6[%swap3A_96, %swap3A_97, %swap3A_98] {strides = array<i32>} : memref<2x128x16xf32, #tpu.memory_space<vmem>>, vector<16xf32>,
      tpu.vector_store %arg6[%swap3A_96, %swap3A_97, %swap3A_98], %broadcast_in_dim3A_3 {strides = array<i32>} : memref<2x128x16xf32, #tpu.memory_space<vmem>>, vector<16xf32>,
      %swap3A_100 = arith.constant 1 : i32
      %swap3A_101 = arith.index_cast %swap3A_100 : i32 to index
      %swap3A_102 = arith.index_cast %scan3A_94 : i32 to index
      %swap3A_103 = arith.constant 0 : index
      %swap3A_104 = tpu.vector_load %arg6[%swap3A_101, %swap3A_102, %swap3A_103] {strides = array<i32>} : memref<2x128x16xf32, #tpu.memory_space<vmem>>, vector<16xf32>,
      tpu.vector_store %arg6[%swap3A_101, %swap3A_102, %swap3A_103], %broadcast_in_dim3A_3 {strides = array<i32>} : memref<2x128x16xf32, #tpu.memory_space<vmem>>, vector<16xf32>,
      %scan3A_105 = arith.constant 0 : i32
      %scan3A_106 = arith.constant 6 : i32
      %scan3A_107 = arith.addi %scan3A_29, %scan3A_106 : i32
      %swap3A_108 = arith.constant 0 : i32
      %swap3A_109 = arith.index_cast %swap3A_108 : i32 to index
      %swap3A_110 = arith.index_cast %scan3A_107 : i32 to index
      %swap3A_111 = arith.constant 0 : index
      %swap3A_112 = tpu.vector_load %arg6[%swap3A_109, %swap3A_110, %swap3A_111] {strides = array<i32>} : memref<2x128x16xf32, #tpu.memory_space<vmem>>, vector<16xf32>,
      tpu.vector_store %arg6[%swap3A_109, %swap3A_110, %swap3A_111], %broadcast_in_dim3A_3 {strides = array<i32>} : memref<2x128x16xf32, #tpu.memory_space<vmem>>, vector<16xf32>,
      %swap3A_113 = arith.constant 1 : i32
      %swap3A_114 = arith.index_cast %swap3A_113 : i32 to index
      %swap3A_115 = arith.index_cast %scan3A_107 : i32 to index
      %swap3A_116 = arith.constant 0 : index
      %swap3A_117 = tpu.vector_load %arg6[%swap3A_114, %swap3A_115, %swap3A_116] {strides = array<i32>} : memref<2x128x16xf32, #tpu.memory_space<vmem>>, vector<16xf32>,
      tpu.vector_store %arg6[%swap3A_114, %swap3A_115, %swap3A_116], %broadcast_in_dim3A_3 {strides = array<i32>} : memref<2x128x16xf32, #tpu.memory_space<vmem>>, vector<16xf32>,
      %scan3A_118 = arith.constant 0 : i32
      %scan3A_119 = arith.constant 7 : i32
      %scan3A_120 = arith.addi %scan3A_29, %scan3A_119 : i32
      %swap3A_121 = arith.constant 0 : i32
      %swap3A_122 = arith.index_cast %swap3A_121 : i32 to index
      %swap3A_123 = arith.index_cast %scan3A_120 : i32 to index
      %swap3A_124 = arith.constant 0 : index
      %swap3A_125 = tpu.vector_load %arg6[%swap3A_122, %swap3A_123, %swap3A_124] {strides = array<i32>} : memref<2x128x16xf32, #tpu.memory_space<vmem>>, vector<16xf32>,
      tpu.vector_store %arg6[%swap3A_122, %swap3A_123, %swap3A_124], %broadcast_in_dim3A_3 {strides = array<i32>} : memref<2x128x16xf32, #tpu.memory_space<vmem>>, vector<16xf32>,
      %swap3A_126 = arith.constant 1 : i32
      %swap3A_127 = arith.index_cast %swap3A_126 : i32 to index
      %swap3A_128 = arith.index_cast %scan3A_120 : i32 to index
      %swap3A_129 = arith.constant 0 : index
      %swap3A_130 = tpu.vector_load %arg6[%swap3A_127, %swap3A_128, %swap3A_129] {strides = array<i32>} : memref<2x128x16xf32, #tpu.memory_space<vmem>>, vector<16xf32>,
      tpu.vector_store %arg6[%swap3A_127, %swap3A_128, %swap3A_129], %broadcast_in_dim3A_3 {strides = array<i32>} : memref<2x128x16xf32, #tpu.memory_space<vmem>>, vector<16xf32>,
      %scan3A_131 = arith.constant 0 : i32
      scf.yield %scan3A_131 : i32
    }
    %scan3A_9 = arith.constant 128 : i32
    %barrier3A = arith.constant 0 : index
    tpu.barrier barrier_id(%barrier3A)
    %mul3A_10 = arith.constant 196 : i32
    %mul3A_11 = arith.muli %add3A, %mul3A_10 : i32
    %scan3A_12 = arith.constant 0 : i32
    %scan3A_13 = arith.constant 0 : i32
    %scan3A_14 = arith.constant 2 : i32
    %scan3A_15 = arith.addi %scan3A_13, %scan3A_14 : i32
    %scan3A_16 = arith.constant 1 : i32
    %scan3A_17 = scf.for %scan3A_29 = %scan3A_13 to %scan3A_15 step %scan3A_16 iter_args(%scan3A_30 = %scan3A_12) -> (i32)  : i32 {
      %mul3A_31 = arith.constant 98 : i32
      %mul3A_32 = arith.muli %scan3A_29, %mul3A_31 : i32
      %add3A_33 = arith.addi %mul3A_11, %mul3A_32 : i32
      %run_scoped3A = arith.constant 1 : i32
      "tpu.region"() ({
        %run_scoped3A_53 = tpu.sem_alloc : memref<!tpu.dma_semaphore, #tpu.memory_space<semaphore_mem>>
        %dma_start3A = arith.constant 0 : i32
        %dma_start3A_54 = tpu.memref_slice %arg2[%run_scoped3A, %add3A_33, %dma_start3A] : memref<2x6272x128xi32, #tpu.memory_space<hbm>> -> memref<1x98x128xi32, #tpu.memory_space<hbm>>
        %dma_start3A_55 = tpu.memref_squeeze %dma_start3A_54 : memref<1x98x128xi32, #tpu.memory_space<hbm>> -> memref<98x128xi32, #tpu.memory_space<hbm>>
        %dma_start3A_56 = arith.constant 0 : i32
        %dma_start3A_57 = tpu.memref_slice %arg2[%run_scoped3A, %add3A_33, %dma_start3A_56] : memref<2x6272x128xi32, #tpu.memory_space<hbm>> -> memref<1x98x128xi32, #tpu.memory_space<hbm>>
        %dma_start3A_58 = tpu.memref_squeeze %dma_start3A_57 : memref<1x98x128xi32, #tpu.memory_space<hbm>> -> memref<98x128xi32, #tpu.memory_space<hbm>>
        tpu.enqueue_dma source(%dma_start3A_58 : memref<98x128xi32, #tpu.memory_space<hbm>>) target(%arg5 : memref<98x128xi32, #tpu.memory_space<vmem>>) target_semaphore(%run_scoped3A_53 : memref<!tpu.dma_semaphore, #tpu.memory_space<semaphore_mem>>)
        %dma_wait3A = arith.constant 0 : i32
        %dma_wait3A_59 = tpu.memref_slice %arg2[%run_scoped3A, %add3A_33, %dma_wait3A] : memref<2x6272x128xi32, #tpu.memory_space<hbm>> -> memref<1x98x128xi32, #tpu.memory_space<hbm>>
        %dma_wait3A_60 = tpu.memref_squeeze %dma_wait3A_59 : memref<1x98x128xi32, #tpu.memory_space<hbm>> -> memref<98x128xi32, #tpu.memory_space<hbm>>
        %dma_wait3A_61 = arith.constant 0 : i32
        %dma_wait3A_62 = tpu.memref_slice %arg2[%run_scoped3A, %add3A_33, %dma_wait3A_61] : memref<2x6272x128xi32, #tpu.memory_space<hbm>> -> memref<1x98x128xi32, #tpu.memory_space<hbm>>
        %dma_wait3A_63 = tpu.memref_squeeze %dma_wait3A_62 : memref<1x98x128xi32, #tpu.memory_space<hbm>> -> memref<98x128xi32, #tpu.memory_space<hbm>>
        tpu.wait_dma2 semaphore(%run_scoped3A_53 : memref<!tpu.dma_semaphore, #tpu.memory_space<semaphore_mem>>) src(%dma_wait3A_63 : memref<98x128xi32, #tpu.memory_space<hbm>>) dst(%arg5 : memref<98x128xi32, #tpu.memory_space<vmem>>)
        tpu.yield
      }) : () -> ()
      %scan3A_34 = arith.constant 0 : i32
      %scan3A_35 = arith.constant 0 : i32
      %scan3A_36 = arith.constant 49 : i32
      %scan3A_37 = arith.addi %scan3A_35, %scan3A_36 : i32
      %scan3A_38 = arith.constant 1 : i32
      %scan3A_39 = scf.for %scan3A_53 = %scan3A_35 to %scan3A_37 step %scan3A_38 iter_args(%scan3A_54 = %scan3A_34) -> (i32)  : i32 {
        %mul3A_55 = arith.constant 2 : i32
        %mul3A_56 = arith.muli %mul3A_55, %scan3A_53 : i32
        %add3A_57 = arith.constant 0 : i32
        %add3A_58 = arith.addi %mul3A_56, %add3A_57 : i32
        %add3A_59 = arith.addi %add3A_33, %add3A_58 : i32
        %lt3A_60 = arith.constant 6250 : i32
        %lt3A_61 = arith.cmpi slt, %add3A_59, %lt3A_60 : i32
        %convert_element_type3A_62 = arith.extui %lt3A_61 : i1 to i32
        %cond3A_63 = arith.constant 0 : i32
        %cond3A_64 = arith.cmpi ne, %convert_element_type3A_62, %cond3A_63 : i32
        scf.if %cond3A_64 {
          %dma_start3A = arith.constant 0 : i32
          %dma_start3A_95 = arith.constant 0 : i32
          %dma_start3A_96 = arith.constant 0 : i32
          %dma_start3A_97 = tpu.memref_slice %arg6[%dma_start3A, %dma_start3A_95, %dma_start3A_96] : memref<2x128x16xf32, #tpu.memory_space<vmem>> -> memref<1x128x16xf32, #tpu.memory_space<vmem>>
          %dma_start3A_98 = tpu.memref_squeeze %dma_start3A_97 : memref<1x128x16xf32, #tpu.memory_space<vmem>> -> memref<128x16xf32, #tpu.memory_space<vmem>>
          %dma_start3A_99 = arith.constant 0 : i32
          %dma_start3A_100 = tpu.memref_slice %arg5[%add3A_58, %dma_start3A_99] : memref<98x128xi32, #tpu.memory_space<vmem>> -> memref<1x128xi32, #tpu.memory_space<vmem>>
          %dma_start3A_101 = tpu.memref_squeeze %dma_start3A_100 : memref<1x128xi32, #tpu.memory_space<vmem>> -> memref<128xi32, #tpu.memory_space<vmem>>
          %dma_start3A_102 = arith.constant 0 : i32
          %dma_start3A_103 = arith.constant 0 : i32
          %dma_start3A_104 = tpu.memref_slice %arg7[%dma_start3A_102, %dma_start3A_103] : memref<51200x16xf32, #tpu.memory_space<vmem_shared>> -> memref<51200x16xf32, #tpu.memory_space<vmem_shared>>
          tpu.enqueue_indirect_dma source(%dma_start3A_98 : memref<128x16xf32, #tpu.memory_space<vmem>>) target(%dma_start3A_104 : memref<51200x16xf32, #tpu.memory_space<vmem_shared>>) offsets(%dma_start3A_101 : memref<128xi32, #tpu.memory_space<vmem>>) semaphore(%arg10 : memref<!tpu.dma_semaphore, #tpu.memory_space<semaphore_mem>>) {add = true}
        } else {
        }
        %ge3A = arith.constant 2 : i32
        %ge3A_65 = arith.cmpi sge, %add3A_58, %ge3A : i32
        %add3A_66 = arith.addi %add3A_33, %add3A_58 : i32
        %sub3A = arith.constant 2 : i32
        %sub3A_67 = arith.subi %add3A_66, %sub3A : i32
        %lt3A_68 = arith.constant 6250 : i32
        %lt3A_69 = arith.cmpi slt, %sub3A_67, %lt3A_68 : i32
        %and3A = arith.andi %ge3A_65, %lt3A_69 : i1
        %convert_element_type3A_70 = arith.extui %and3A : i1 to i32
        %cond3A_71 = arith.constant 0 : i32
        %cond3A_72 = arith.cmpi ne, %convert_element_type3A_70, %cond3A_71 : i32
        scf.if %cond3A_72 {
          %sub3A_95 = arith.constant 2 : i32
          %sub3A_96 = arith.subi %add3A_58, %sub3A_95 : i32
          %dma_wait3A = arith.constant 0 : i32
          %dma_wait3A_97 = arith.constant 0 : i32
          %dma_wait3A_98 = arith.constant 0 : i32
          %dma_wait3A_99 = tpu.memref_slice %arg6[%dma_wait3A, %dma_wait3A_97, %dma_wait3A_98] : memref<2x128x16xf32, #tpu.memory_space<vmem>> -> memref<1x128x16xf32, #tpu.memory_space<vmem>>
          %dma_wait3A_100 = tpu.memref_squeeze %dma_wait3A_99 : memref<1x128x16xf32, #tpu.memory_space<vmem>> -> memref<128x16xf32, #tpu.memory_space<vmem>>
          %dma_wait3A_101 = arith.constant 0 : i32
          %dma_wait3A_102 = tpu.memref_slice %arg5[%sub3A_96, %dma_wait3A_101] : memref<98x128xi32, #tpu.memory_space<vmem>> -> memref<1x128xi32, #tpu.memory_space<vmem>>
          %dma_wait3A_103 = tpu.memref_squeeze %dma_wait3A_102 : memref<1x128xi32, #tpu.memory_space<vmem>> -> memref<128xi32, #tpu.memory_space<vmem>>
          %dma_wait3A_104 = arith.constant 0 : i32
          %dma_wait3A_105 = arith.constant 0 : i32
          %dma_wait3A_106 = tpu.memref_slice %arg7[%dma_wait3A_104, %dma_wait3A_105] : memref<51200x16xf32, #tpu.memory_space<vmem_shared>> -> memref<51200x16xf32, #tpu.memory_space<vmem_shared>>
          tpu.wait_indirect_dma semaphore(%arg10 : memref<!tpu.dma_semaphore, #tpu.memory_space<semaphore_mem>>) src(%dma_wait3A_100 : memref<128x16xf32, #tpu.memory_space<vmem>>) dst(%dma_wait3A_106 : memref<51200x16xf32, #tpu.memory_space<vmem_shared>>)
        } else {
        }
        %mul3A_73 = arith.constant 2 : i32
        %mul3A_74 = arith.muli %mul3A_73, %scan3A_53 : i32
        %add3A_75 = arith.constant 1 : i32
        %add3A_76 = arith.addi %mul3A_74, %add3A_75 : i32
        %add3A_77 = arith.addi %add3A_33, %add3A_76 : i32
        %lt3A_78 = arith.constant 6250 : i32
        %lt3A_79 = arith.cmpi slt, %add3A_77, %lt3A_78 : i32
        %convert_element_type3A_80 = arith.extui %lt3A_79 : i1 to i32
        %cond3A_81 = arith.constant 0 : i32
        %cond3A_82 = arith.cmpi ne, %convert_element_type3A_80, %cond3A_81 : i32
        scf.if %cond3A_82 {
          %dma_start3A = arith.constant 1 : i32
          %dma_start3A_95 = arith.constant 0 : i32
          %dma_start3A_96 = arith.constant 0 : i32
          %dma_start3A_97 = tpu.memref_slice %arg6[%dma_start3A, %dma_start3A_95, %dma_start3A_96] : memref<2x128x16xf32, #tpu.memory_space<vmem>> -> memref<1x128x16xf32, #tpu.memory_space<vmem>>
          %dma_start3A_98 = tpu.memref_squeeze %dma_start3A_97 : memref<1x128x16xf32, #tpu.memory_space<vmem>> -> memref<128x16xf32, #tpu.memory_space<vmem>>
          %dma_start3A_99 = arith.constant 0 : i32
          %dma_start3A_100 = tpu.memref_slice %arg5[%add3A_76, %dma_start3A_99] : memref<98x128xi32, #tpu.memory_space<vmem>> -> memref<1x128xi32, #tpu.memory_space<vmem>>
          %dma_start3A_101 = tpu.memref_squeeze %dma_start3A_100 : memref<1x128xi32, #tpu.memory_space<vmem>> -> memref<128xi32, #tpu.memory_space<vmem>>
          %dma_start3A_102 = arith.constant 0 : i32
          %dma_start3A_103 = arith.constant 0 : i32
          %dma_start3A_104 = tpu.memref_slice %arg7[%dma_start3A_102, %dma_start3A_103] : memref<51200x16xf32, #tpu.memory_space<vmem_shared>> -> memref<51200x16xf32, #tpu.memory_space<vmem_shared>>
          tpu.enqueue_indirect_dma source(%dma_start3A_98 : memref<128x16xf32, #tpu.memory_space<vmem>>) target(%dma_start3A_104 : memref<51200x16xf32, #tpu.memory_space<vmem_shared>>) offsets(%dma_start3A_101 : memref<128xi32, #tpu.memory_space<vmem>>) semaphore(%arg11 : memref<!tpu.dma_semaphore, #tpu.memory_space<semaphore_mem>>) {add = true}
        } else {
        }
        %ge3A_83 = arith.constant 2 : i32
        %ge3A_84 = arith.cmpi sge, %add3A_76, %ge3A_83 : i32
        %add3A_85 = arith.addi %add3A_33, %add3A_76 : i32
        %sub3A_86 = arith.constant 2 : i32
        %sub3A_87 = arith.subi %add3A_85, %sub3A_86 : i32
        %lt3A_88 = arith.constant 6250 : i32
        %lt3A_89 = arith.cmpi slt, %sub3A_87, %lt3A_88 : i32
        %and3A_90 = arith.andi %ge3A_84, %lt3A_89 : i1
        %convert_element_type3A_91 = arith.extui %and3A_90 : i1 to i32
        %cond3A_92 = arith.constant 0 : i32
        %cond3A_93 = arith.cmpi ne, %convert_element_type3A_91, %cond3A_92 : i32
        scf.if %cond3A_93 {
          %sub3A_95 = arith.constant 2 : i32
          %sub3A_96 = arith.subi %add3A_76, %sub3A_95 : i32
          %dma_wait3A = arith.constant 1 : i32
          %dma_wait3A_97 = arith.constant 0 : i32
          %dma_wait3A_98 = arith.constant 0 : i32
          %dma_wait3A_99 = tpu.memref_slice %arg6[%dma_wait3A, %dma_wait3A_97, %dma_wait3A_98] : memref<2x128x16xf32, #tpu.memory_space<vmem>> -> memref<1x128x16xf32, #tpu.memory_space<vmem>>
          %dma_wait3A_100 = tpu.memref_squeeze %dma_wait3A_99 : memref<1x128x16xf32, #tpu.memory_space<vmem>> -> memref<128x16xf32, #tpu.memory_space<vmem>>
          %dma_wait3A_101 = arith.constant 0 : i32
          %dma_wait3A_102 = tpu.memref_slice %arg5[%sub3A_96, %dma_wait3A_101] : memref<98x128xi32, #tpu.memory_space<vmem>> -> memref<1x128xi32, #tpu.memory_space<vmem>>
          %dma_wait3A_103 = tpu.memref_squeeze %dma_wait3A_102 : memref<1x128xi32, #tpu.memory_space<vmem>> -> memref<128xi32, #tpu.memory_space<vmem>>
          %dma_wait3A_104 = arith.constant 0 : i32
          %dma_wait3A_105 = arith.constant 0 : i32
          %dma_wait3A_106 = tpu.memref_slice %arg7[%dma_wait3A_104, %dma_wait3A_105] : memref<51200x16xf32, #tpu.memory_space<vmem_shared>> -> memref<51200x16xf32, #tpu.memory_space<vmem_shared>>
          tpu.wait_indirect_dma semaphore(%arg11 : memref<!tpu.dma_semaphore, #tpu.memory_space<semaphore_mem>>) src(%dma_wait3A_100 : memref<128x16xf32, #tpu.memory_space<vmem>>) dst(%dma_wait3A_106 : memref<51200x16xf32, #tpu.memory_space<vmem_shared>>)
        } else {
        }
        %scan3A_94 = arith.constant 0 : i32
        scf.yield %scan3A_94 : i32
      }
      %scan3A_40 = arith.constant 49 : i32
      %add3A_41 = arith.constant 96 : i32
      %add3A_42 = arith.addi %add3A_33, %add3A_41 : i32
      %lt3A = arith.constant 6250 : i32
      %lt3A_43 = arith.cmpi slt, %add3A_42, %lt3A : i32
      %convert_element_type3A = arith.extui %lt3A_43 : i1 to i32
      %cond3A = arith.constant 0 : i32
      %cond3A_44 = arith.cmpi ne, %convert_element_type3A, %cond3A : i32
      scf.if %cond3A_44 {
        %dma_wait3A = arith.constant 0 : i32
        %dma_wait3A_53 = arith.constant 96 : i32
        %dma_wait3A_54 = arith.constant 0 : i32
        %dma_wait3A_55 = arith.constant 0 : i32
        %dma_wait3A_56 = tpu.memref_slice %arg6[%dma_wait3A, %dma_wait3A_54, %dma_wait3A_55] : memref<2x128x16xf32, #tpu.memory_space<vmem>> -> memref<1x128x16xf32, #tpu.memory_space<vmem>>
        %dma_wait3A_57 = tpu.memref_squeeze %dma_wait3A_56 : memref<1x128x16xf32, #tpu.memory_space<vmem>> -> memref<128x16xf32, #tpu.memory_space<vmem>>
        %dma_wait3A_58 = arith.constant 0 : i32
        %dma_wait3A_59 = tpu.memref_slice %arg5[%dma_wait3A_53, %dma_wait3A_58] : memref<98x128xi32, #tpu.memory_space<vmem>> -> memref<1x128xi32, #tpu.memory_space<vmem>>
        %dma_wait3A_60 = tpu.memref_squeeze %dma_wait3A_59 : memref<1x128xi32, #tpu.memory_space<vmem>> -> memref<128xi32, #tpu.memory_space<vmem>>
        %dma_wait3A_61 = arith.constant 0 : i32
        %dma_wait3A_62 = arith.constant 0 : i32
        %dma_wait3A_63 = tpu.memref_slice %arg7[%dma_wait3A_61, %dma_wait3A_62] : memref<51200x16xf32, #tpu.memory_space<vmem_shared>> -> memref<51200x16xf32, #tpu.memory_space<vmem_shared>>
        tpu.wait_indirect_dma semaphore(%arg10 : memref<!tpu.dma_semaphore, #tpu.memory_space<semaphore_mem>>) src(%dma_wait3A_57 : memref<128x16xf32, #tpu.memory_space<vmem>>) dst(%dma_wait3A_63 : memref<51200x16xf32, #tpu.memory_space<vmem_shared>>)
      } else {
      }
      %add3A_45 = arith.constant 97 : i32
      %add3A_46 = arith.addi %add3A_33, %add3A_45 : i32
      %lt3A_47 = arith.constant 6250 : i32
      %lt3A_48 = arith.cmpi slt, %add3A_46, %lt3A_47 : i32
      %convert_element_type3A_49 = arith.extui %lt3A_48 : i1 to i32
      %cond3A_50 = arith.constant 0 : i32
      %cond3A_51 = arith.cmpi ne, %convert_element_type3A_49, %cond3A_50 : i32
      scf.if %cond3A_51 {
        %dma_wait3A = arith.constant 1 : i32
        %dma_wait3A_53 = arith.constant 97 : i32
        %dma_wait3A_54 = arith.constant 0 : i32
        %dma_wait3A_55 = arith.constant 0 : i32
        %dma_wait3A_56 = tpu.memref_slice %arg6[%dma_wait3A, %dma_wait3A_54, %dma_wait3A_55] : memref<2x128x16xf32, #tpu.memory_space<vmem>> -> memref<1x128x16xf32, #tpu.memory_space<vmem>>
        %dma_wait3A_57 = tpu.memref_squeeze %dma_wait3A_56 : memref<1x128x16xf32, #tpu.memory_space<vmem>> -> memref<128x16xf32, #tpu.memory_space<vmem>>
        %dma_wait3A_58 = arith.constant 0 : i32
        %dma_wait3A_59 = tpu.memref_slice %arg5[%dma_wait3A_53, %dma_wait3A_58] : memref<98x128xi32, #tpu.memory_space<vmem>> -> memref<1x128xi32, #tpu.memory_space<vmem>>
        %dma_wait3A_60 = tpu.memref_squeeze %dma_wait3A_59 : memref<1x128xi32, #tpu.memory_space<vmem>> -> memref<128xi32, #tpu.memory_space<vmem>>
        %dma_wait3A_61 = arith.constant 0 : i32
        %dma_wait3A_62 = arith.constant 0 : i32
        %dma_wait3A_63 = tpu.memref_slice %arg7[%dma_wait3A_61, %dma_wait3A_62] : memref<51200x16xf32, #tpu.memory_space<vmem_shared>> -> memref<51200x16xf32, #tpu.memory_space<vmem_shared>>
        tpu.wait_indirect_dma semaphore(%arg11 : memref<!tpu.dma_semaphore, #tpu.memory_space<semaphore_mem>>) src(%dma_wait3A_57 : memref<128x16xf32, #tpu.memory_space<vmem>>) dst(%dma_wait3A_63 : memref<51200x16xf32, #tpu.memory_space<vmem_shared>>)
      } else {
      }
      %scan3A_52 = arith.constant 0 : i32
      scf.yield %scan3A_52 : i32
    }
    %scan3A_18 = arith.constant 2 : i32
    %barrier3A_19 = arith.constant 0 : index
    tpu.barrier barrier_id(%barrier3A_19)
    "tpu.region"() ({
      %run_scoped3A = tpu.sem_alloc : memref<!tpu.dma_semaphore, #tpu.memory_space<semaphore_mem>>
      %dma_start3A = arith.constant 0 : i32
      %dma_start3A_29 = tpu.memref_slice %arg7[%mul3A_2, %dma_start3A] : memref<51200x16xf32, #tpu.memory_space<vmem_shared>> -> memref<3200x16xf32, #tpu.memory_space<vmem_shared>>
      %dma_start3A_30 = arith.constant 0 : i32
      %dma_start3A_31 = tpu.memref_slice %arg7[%mul3A_2, %dma_start3A_30] : memref<51200x16xf32, #tpu.memory_space<vmem_shared>> -> memref<3200x16xf32, #tpu.memory_space<vmem_shared>>
      tpu.enqueue_dma source(%dma_start3A_31 : memref<3200x16xf32, #tpu.memory_space<vmem_shared>>) target(%arg8 : memref<3200x16xf32, #tpu.memory_space<vmem>>) target_semaphore(%run_scoped3A : memref<!tpu.dma_semaphore, #tpu.memory_space<semaphore_mem>>)
      %dma_wait3A = arith.constant 0 : i32
      %dma_wait3A_32 = tpu.memref_slice %arg7[%mul3A_2, %dma_wait3A] : memref<51200x16xf32, #tpu.memory_space<vmem_shared>> -> memref<3200x16xf32, #tpu.memory_space<vmem_shared>>
      %dma_wait3A_33 = arith.constant 0 : i32
      %dma_wait3A_34 = tpu.memref_slice %arg7[%mul3A_2, %dma_wait3A_33] : memref<51200x16xf32, #tpu.memory_space<vmem_shared>> -> memref<3200x16xf32, #tpu.memory_space<vmem_shared>>
      tpu.wait_dma2 semaphore(%run_scoped3A : memref<!tpu.dma_semaphore, #tpu.memory_space<semaphore_mem>>) src(%dma_wait3A_34 : memref<3200x16xf32, #tpu.memory_space<vmem_shared>>) dst(%arg8 : memref<3200x16xf32, #tpu.memory_space<vmem>>)
      tpu.yield
    }) : () -> ()
    %broadcast_in_dim3A_20 = arith.constant 0 : i32
    %broadcast_in_dim3A_21 = vector.broadcast %broadcast_in_dim3A_20 : i32 to vector<16xi32>
    %iota3A = tpu.iota {dimensions = array<i32: 0>} : vector<16xi32>
    %scan3A_22 = arith.constant 0 : i32
    %scan3A_23 = arith.constant 0 : i32
    %scan3A_24 = arith.constant 200 : i32
    %scan3A_25 = arith.addi %scan3A_23, %scan3A_24 : i32
    %scan3A_26 = arith.constant 1 : i32
    %scan3A_27 = scf.for %scan3A_29 = %scan3A_23 to %scan3A_25 step %scan3A_26 iter_args(%scan3A_30 = %scan3A_22) -> (i32)  : i32 {
      %mul3A_31 = arith.constant 16 : i32
      %mul3A_32 = arith.muli %scan3A_29, %mul3A_31 : i32
      %add3A_33 = vector.broadcast %mul3A_32 : i32 to vector<16xi32>
      %add3A_34 = arith.addi %add3A_33, %iota3A : vector<16xi32>
      %gather3A = tpu.vector_load_idx %arg8[%add3A_34, %broadcast_in_dim3A_21] : memref<3200x16xf32, #tpu.memory_space<vmem>>[vector<16xi32>, vector<16xi32>], vector<16xf32>,
      %mul3A_35 = arith.constant 16 : i32
      %mul3A_36 = arith.muli %scan3A_29, %mul3A_35 : i32
      %swap3A = arith.index_cast %mul3A_36 : i32 to index
      %swap3A_37 = tpu.vector_load %arg9[%swap3A] {strides = array<i32>} : memref<3200xf32, #tpu.memory_space<vmem>>, vector<16xf32>,
      tpu.vector_store %arg9[%swap3A], %gather3A {strides = array<i32>} : memref<3200xf32, #tpu.memory_space<vmem>>, vector<16xf32>,
      %scan3A_38 = arith.constant 0 : i32
      scf.yield %scan3A_38 : i32
    }
    %scan3A_28 = arith.constant 200 : i32
    "tpu.region"() ({
      %run_scoped3A = tpu.sem_alloc : memref<!tpu.dma_semaphore, #tpu.memory_space<semaphore_mem>>
      %dma_start3A = tpu.memref_slice %arg4[%arg0, %mul3A_2] : memref<2x51200xf32, #tpu.memory_space<hbm>> -> memref<1x3200xf32, #tpu.memory_space<hbm>>
      %dma_start3A_29 = tpu.memref_squeeze %dma_start3A : memref<1x3200xf32, #tpu.memory_space<hbm>> -> memref<3200xf32, #tpu.memory_space<hbm>>
      %dma_start3A_30 = tpu.memref_slice %arg4[%arg0, %mul3A_2] : memref<2x51200xf32, #tpu.memory_space<hbm>> -> memref<1x3200xf32, #tpu.memory_space<hbm>>
      %dma_start3A_31 = tpu.memref_squeeze %dma_start3A_30 : memref<1x3200xf32, #tpu.memory_space<hbm>> -> memref<3200xf32, #tpu.memory_space<hbm>>
      tpu.enqueue_dma source(%arg9 : memref<3200xf32, #tpu.memory_space<vmem>>) target(%dma_start3A_31 : memref<3200xf32, #tpu.memory_space<hbm>>) target_semaphore(%run_scoped3A : memref<!tpu.dma_semaphore, #tpu.memory_space<semaphore_mem>>)
      %dma_wait3A = tpu.memref_slice %arg4[%arg0, %mul3A_2] : memref<2x51200xf32, #tpu.memory_space<hbm>> -> memref<1x3200xf32, #tpu.memory_space<hbm>>
      %dma_wait3A_32 = tpu.memref_squeeze %dma_wait3A : memref<1x3200xf32, #tpu.memory_space<hbm>> -> memref<3200xf32, #tpu.memory_space<hbm>>
      %dma_wait3A_33 = tpu.memref_slice %arg4[%arg0, %mul3A_2] : memref<2x51200xf32, #tpu.memory_space<hbm>> -> memref<1x3200xf32, #tpu.memory_space<hbm>>
      %dma_wait3A_34 = tpu.memref_squeeze %dma_wait3A_33 : memref<1x3200xf32, #tpu.memory_space<hbm>> -> memref<3200xf32, #tpu.memory_space<hbm>>
      tpu.wait_dma2 semaphore(%run_scoped3A : memref<!tpu.dma_semaphore, #tpu.memory_space<semaphore_mem>>) src(%arg9 : memref<3200xf32, #tpu.memory_space<vmem>>) dst(%dma_wait3A_34 : memref<3200xf32, #tpu.memory_space<hbm>>)
      tpu.yield
    }) : () -> ()
    return
  }
}

module attributes {stable_mosaic.version = 14 : i64} {
  func.func @_enc_body(%arg0: i32, %arg1: memref<3200x16xf32, #tpu.memory_space<vmem>>, %arg2: memref<16x32xf32, #tpu.memory_space<vmem>>, %arg3: memref<16x32xf32, #tpu.memory_space<vmem>>, %arg4: memref<1x32xf32, #tpu.memory_space<vmem>>, %arg5: memref<1x32xf32, #tpu.memory_space<vmem>>, %arg6: memref<3200x1xf32, #tpu.memory_space<vmem>>, %arg7: memref<3200x32xf32, #tpu.memory_space<vmem>>, %arg8: memref<3200x1xf32, #tpu.memory_space<vmem>>) attributes {dimension_semantics = [#tpu.dimension_semantics<arbitrary>], iteration_bounds = array<i64: 16>, scalar_prefetch = 0 : i64, scratch_operands = 0 : i64, tpu.core_type = #tpu.core_type<tc>, window_params = [{transform_indices = @transform_0, window_bounds = array<i64: 3200, 16>}, {pipeline_mode = #tpu.pipeline_mode<synchronous>, transform_indices = @transform_1, window_bounds = array<i64: 16, 32>}, {pipeline_mode = #tpu.pipeline_mode<synchronous>, transform_indices = @transform_2, window_bounds = array<i64: 16, 32>}, {pipeline_mode = #tpu.pipeline_mode<synchronous>, transform_indices = @transform_3, window_bounds = array<i64: 1, 32>}, {pipeline_mode = #tpu.pipeline_mode<synchronous>, transform_indices = @transform_4, window_bounds = array<i64: 1, 32>}, {transform_indices = @transform_5, window_bounds = array<i64: 3200, 1>}, {transform_indices = @transform_6, window_bounds = array<i64: 3200, 32>}, {transform_indices = @transform_7, window_bounds = array<i64: 3200, 1>}]} {
    %mul3A = arith.constant 3200 : i32
    %mul3A_0 = arith.muli %arg0, %mul3A : i32
    %iota3A = tpu.iota {dimensions = array<i32: 0>} : vector<3200x1xi32>
    %add3A = vector.broadcast %mul3A_0 : i32 to vector<3200x1xi32>
    %add3A_1 = arith.addi %add3A, %iota3A : vector<3200x1xi32>
    %get3A = arith.constant 0 : index
    %get3A_2 = arith.constant 0 : index
    %get3A_3 = vector.load %arg1[%get3A, %get3A_2] : memref<3200x16xf32, #tpu.memory_space<vmem>>, vector<3200x16xf32>
    %get3A_4 = arith.constant 0 : index
    %get3A_5 = arith.constant 0 : index
    %get3A_6 = vector.load %arg2[%get3A_4, %get3A_5] : memref<16x32xf32, #tpu.memory_space<vmem>>, vector<16x32xf32>
    %dot_general3A = arith.constant dense<0.000000e+00> : vector<3200x32xf32>
    %dot_general3A_7 = tpu.matmul %get3A_3, %get3A_6, %dot_general3A {dimension_numbers = #tpu.dot_dimension_numbers<[1], [0], [0], [1], [0, 0, 1, 1], [], []>, transpose_lhs_hint = false} : vector<3200x16xf32>, vector<16x32xf32>, vector<3200x32xf32> -> vector<3200x32xf32>
    %get3A_8 = arith.constant 0 : index
    %get3A_9 = arith.constant 0 : index
    %get3A_10 = vector.load %arg4[%get3A_8, %get3A_9] : memref<1x32xf32, #tpu.memory_space<vmem>>, vector<1x32xf32>
    %add3A_11 = vector.broadcast %get3A_10 : vector<1x32xf32> to vector<3200x32xf32>
    %add3A_12 = arith.addf %dot_general3A_7, %add3A_11 : vector<3200x32xf32>
    %get3A_13 = arith.constant 0 : index
    %get3A_14 = arith.constant 0 : index
    %get3A_15 = vector.load %arg3[%get3A_13, %get3A_14] : memref<16x32xf32, #tpu.memory_space<vmem>>, vector<16x32xf32>
    %dot_general3A_16 = arith.constant dense<0.000000e+00> : vector<3200x32xf32>
    %dot_general3A_17 = tpu.matmul %get3A_3, %get3A_15, %dot_general3A_16 {dimension_numbers = #tpu.dot_dimension_numbers<[1], [0], [0], [1], [0, 0, 1, 1], [], []>, transpose_lhs_hint = false} : vector<3200x16xf32>, vector<16x32xf32>, vector<3200x32xf32> -> vector<3200x32xf32>
    %get3A_18 = arith.constant 0 : index
    %get3A_19 = arith.constant 0 : index
    %get3A_20 = vector.load %arg5[%get3A_18, %get3A_19] : memref<1x32xf32, #tpu.memory_space<vmem>>, vector<1x32xf32>
    %add3A_21 = vector.broadcast %get3A_20 : vector<1x32xf32> to vector<3200x32xf32>
    %add3A_22 = arith.addf %dot_general3A_17, %add3A_21 : vector<3200x32xf32>
    %lt3A = arith.constant 40000 : i32
    %lt3A_23 = vector.broadcast %lt3A : i32 to vector<3200x1xi32>
    %lt3A_24 = arith.cmpi slt, %add3A_1, %lt3A_23 : vector<3200x1xi32>
    %broadcast_in_dim3A = vector.shape_cast %lt3A_24 : vector<3200x1xi1> to vector<3200x1xi1>
    %broadcast_in_dim3A_25 = vector.broadcast %broadcast_in_dim3A : vector<3200x1xi1> to vector<3200x32xi1>
    %select_n3A = arith.select %broadcast_in_dim3A_25, %add3A_12, %add3A_22 : vector<3200x32xi1>, vector<3200x32xf32>
    %lt3A_26 = arith.constant 50000 : i32
    %lt3A_27 = vector.broadcast %lt3A_26 : i32 to vector<3200x1xi32>
    %lt3A_28 = arith.cmpi slt, %add3A_1, %lt3A_27 : vector<3200x1xi32>
    %jit3A = arith.constant 0.000000e+00 : f32
    %broadcast_in_dim3A_29 = vector.shape_cast %lt3A_28 : vector<3200x1xi1> to vector<3200x1xi1>
    %broadcast_in_dim3A_30 = vector.broadcast %broadcast_in_dim3A_29 : vector<3200x1xi1> to vector<3200x32xi1>
    %broadcast_in_dim3A_31 = vector.broadcast %jit3A : f32 to vector<3200x32xf32>
    %select_n3A_32 = arith.select %broadcast_in_dim3A_30, %select_n3A, %broadcast_in_dim3A_31 : vector<3200x32xi1>, vector<3200x32xf32>
    %get3A_33 = arith.constant 0 : index
    %get3A_34 = arith.constant 0 : index
    %get3A_35 = vector.load %arg6[%get3A_33, %get3A_34] : memref<3200x1xf32, #tpu.memory_space<vmem>>, vector<3200x1xf32>
    %add3A_36 = arith.constant 1.000000e+00 : f32
    %add3A_37 = vector.broadcast %add3A_36 : f32 to vector<3200x1xf32>
    %add3A_38 = arith.addf %get3A_35, %add3A_37 : vector<3200x1xf32>
    %rsqrt3A = math.rsqrt %add3A_38 : vector<3200x1xf32>
    %mul3A_39 = vector.broadcast %rsqrt3A : vector<3200x1xf32> to vector<3200x32xf32>
    %mul3A_40 = arith.mulf %select_n3A_32, %mul3A_39 : vector<3200x32xf32>
    %swap3A = arith.constant 0 : index
    %swap3A_41 = arith.constant 0 : index
    %swap3A_42 = vector.load %arg7[%swap3A, %swap3A_41] : memref<3200x32xf32, #tpu.memory_space<vmem>>, vector<3200x32xf32>
    tpu.vector_store %arg7[%swap3A, %swap3A_41], %mul3A_40 {strides = array<i32>} : memref<3200x32xf32, #tpu.memory_space<vmem>>, vector<3200x32xf32>,
    %swap3A_43 = arith.constant 0 : index
    %swap3A_44 = arith.constant 0 : index
    %swap3A_45 = vector.load %arg8[%swap3A_43, %swap3A_44] : memref<3200x1xf32, #tpu.memory_space<vmem>>, vector<3200x1xf32>
    tpu.vector_store %arg8[%swap3A_43, %swap3A_44], %rsqrt3A {strides = array<i32>} : memref<3200x1xf32, #tpu.memory_space<vmem>>, vector<3200x1xf32>,
    return
  }
  func.func @transform_0(%arg0: i32) -> (i32, i32) {
    %c0_i32 = arith.constant 0 : i32
    %c0_i32_0 = arith.constant 0 : i32
    return %arg0, %c0_i32 : i32, i32
  }
  func.func @transform_1(%arg0: i32) -> (i32, i32) {
    %c0_i32 = arith.constant 0 : i32
    %c0_i32_0 = arith.constant 0 : i32
    %c0_i32_1 = arith.constant 0 : i32
    return %c0_i32, %c0_i32_0 : i32, i32
  }
  func.func @transform_2(%arg0: i32) -> (i32, i32) {
    %c0_i32 = arith.constant 0 : i32
    %c0_i32_0 = arith.constant 0 : i32
    %c0_i32_1 = arith.constant 0 : i32
    return %c0_i32, %c0_i32_0 : i32, i32
  }
  func.func @transform_3(%arg0: i32) -> (i32, i32) {
    %c0_i32 = arith.constant 0 : i32
    %c0_i32_0 = arith.constant 0 : i32
    %c0_i32_1 = arith.constant 0 : i32
    return %c0_i32, %c0_i32_0 : i32, i32
  }
  func.func @transform_4(%arg0: i32) -> (i32, i32) {
    %c0_i32 = arith.constant 0 : i32
    %c0_i32_0 = arith.constant 0 : i32
    %c0_i32_1 = arith.constant 0 : i32
    return %c0_i32, %c0_i32_0 : i32, i32
  }
  func.func @transform_5(%arg0: i32) -> (i32, i32) {
    %c0_i32 = arith.constant 0 : i32
    %c0_i32_0 = arith.constant 0 : i32
    return %arg0, %c0_i32 : i32, i32
  }
  func.func @transform_6(%arg0: i32) -> (i32, i32) {
    %c0_i32 = arith.constant 0 : i32
    %c0_i32_0 = arith.constant 0 : i32
    return %arg0, %c0_i32 : i32, i32
  }
  func.func @transform_7(%arg0: i32) -> (i32, i32) {
    %c0_i32 = arith.constant 0 : i32
    %c0_i32_0 = arith.constant 0 : i32
    return %arg0, %c0_i32 : i32, i32
  }
}

module attributes {stable_mosaic.version = 14 : i64} {
  func.func @_fin_body(%arg0: i32, %arg1: memref<2x2000x32xf32, #tpu.memory_space<vmem>>, %arg2: memref<2000x32xf32, #tpu.memory_space<vmem>>, %arg3: memref<2000x1xf32, #tpu.memory_space<vmem>>, %arg4: memref<32x32xf32, #tpu.memory_space<vmem>>, %arg5: memref<1x32xf32, #tpu.memory_space<vmem>>, %arg6: memref<64x32xf32, #tpu.memory_space<vmem>>, %arg7: memref<1x32xf32, #tpu.memory_space<vmem>>, %arg8: memref<32x32xf32, #tpu.memory_space<vmem>>, %arg9: memref<1x32xf32, #tpu.memory_space<vmem>>, %arg10: memref<64x32xf32, #tpu.memory_space<vmem>>, %arg11: memref<1x32xf32, #tpu.memory_space<vmem>>, %arg12: memref<32x64xf32, #tpu.memory_space<vmem>>, %arg13: memref<1x64xf32, #tpu.memory_space<vmem>>, %arg14: memref<64x100xf32, #tpu.memory_space<vmem>>, %arg15: memref<1x100xf32, #tpu.memory_space<vmem>>, %arg16: memref<2000x100xf32, #tpu.memory_space<vmem>>) attributes {dimension_semantics = [#tpu.dimension_semantics<arbitrary>], iteration_bounds = array<i64: 20>, scalar_prefetch = 0 : i64, scratch_operands = 0 : i64, tpu.core_type = #tpu.core_type<tc>, window_params = [{transform_indices = @transform_0, window_bounds = array<i64: 2, 2000, 32>}, {transform_indices = @transform_1, window_bounds = array<i64: 2000, 32>}, {transform_indices = @transform_2, window_bounds = array<i64: 2000, 1>}, {pipeline_mode = #tpu.pipeline_mode<synchronous>, transform_indices = @transform_3, window_bounds = array<i64: 32, 32>}, {pipeline_mode = #tpu.pipeline_mode<synchronous>, transform_indices = @transform_4, window_bounds = array<i64: 1, 32>}, {pipeline_mode = #tpu.pipeline_mode<synchronous>, transform_indices = @transform_5, window_bounds = array<i64: 64, 32>}, {pipeline_mode = #tpu.pipeline_mode<synchronous>, transform_indices = @transform_6, window_bounds = array<i64: 1, 32>}, {pipeline_mode = #tpu.pipeline_mode<synchronous>, transform_indices = @transform_7, window_bounds = array<i64: 32, 32>}, {pipeline_mode = #tpu.pipeline_mode<synchronous>, transform_indices = @transform_8, window_bounds = array<i64: 1, 32>}, {pipeline_mode = #tpu.pipeline_mode<synchronous>, transform_indices = @transform_9, window_bounds = array<i64: 64, 32>}, {pipeline_mode = #tpu.pipeline_mode<synchronous>, transform_indices = @transform_10, window_bounds = array<i64: 1, 32>}, {pipeline_mode = #tpu.pipeline_mode<synchronous>, transform_indices = @transform_11, window_bounds = array<i64: 32, 64>}, {pipeline_mode = #tpu.pipeline_mode<synchronous>, transform_indices = @transform_12, window_bounds = array<i64: 1, 64>}, {pipeline_mode = #tpu.pipeline_mode<synchronous>, transform_indices = @transform_13, window_bounds = array<i64: 64, 100>}, {pipeline_mode = #tpu.pipeline_mode<synchronous>, transform_indices = @transform_14, window_bounds = array<i64: 1, 100>}, {transform_indices = @transform_15, window_bounds = array<i64: 2000, 100>}]} {
    %get3A = arith.constant 0 : index
    %get3A_0 = arith.constant 0 : index
    %get3A_1 = arith.constant 0 : index
    %get3A_2 = vector.load %arg1[%get3A, %get3A_0, %get3A_1] : memref<2x2000x32xf32, #tpu.memory_space<vmem>>, vector<1x2000x32xf32>
    %get3A_3 = vector.shape_cast %get3A_2 : vector<1x2000x32xf32> to vector<2000x32xf32>
    %get3A_4 = arith.constant 1 : index
    %get3A_5 = arith.constant 0 : index
    %get3A_6 = arith.constant 0 : index
    %get3A_7 = vector.load %arg1[%get3A_4, %get3A_5, %get3A_6] : memref<2x2000x32xf32, #tpu.memory_space<vmem>>, vector<1x2000x32xf32>
    %get3A_8 = vector.shape_cast %get3A_7 : vector<1x2000x32xf32> to vector<2000x32xf32>
    %add3A = arith.addf %get3A_3, %get3A_8 : vector<2000x32xf32>
    %get3A_9 = arith.constant 0 : index
    %get3A_10 = arith.constant 0 : index
    %get3A_11 = vector.load %arg2[%get3A_9, %get3A_10] : memref<2000x32xf32, #tpu.memory_space<vmem>>, vector<2000x32xf32>
    %add3A_12 = arith.addf %add3A, %get3A_11 : vector<2000x32xf32>
    %get3A_13 = arith.constant 0 : index
    %get3A_14 = arith.constant 0 : index
    %get3A_15 = vector.load %arg3[%get3A_13, %get3A_14] : memref<2000x1xf32, #tpu.memory_space<vmem>>, vector<2000x1xf32>
    %mul3A = vector.broadcast %get3A_15 : vector<2000x1xf32> to vector<2000x32xf32>
    %mul3A_16 = arith.mulf %add3A_12, %mul3A : vector<2000x32xf32>
    %get3A_17 = arith.constant 0 : index
    %get3A_18 = arith.constant 0 : index
    %get3A_19 = vector.load %arg4[%get3A_17, %get3A_18] : memref<32x32xf32, #tpu.memory_space<vmem>>, vector<32x32xf32>
    %dot_general3A = arith.constant dense<0.000000e+00> : vector<2000x32xf32>
    %dot_general3A_20 = tpu.matmul %mul3A_16, %get3A_19, %dot_general3A {dimension_numbers = #tpu.dot_dimension_numbers<[1], [0], [0], [1], [0, 0, 1, 1], [], []>, transpose_lhs_hint = false} : vector<2000x32xf32>, vector<32x32xf32>, vector<2000x32xf32> -> vector<2000x32xf32>
    %get3A_21 = arith.constant 0 : index
    %get3A_22 = arith.constant 0 : index
    %get3A_23 = vector.load %arg5[%get3A_21, %get3A_22] : memref<1x32xf32, #tpu.memory_space<vmem>>, vector<1x32xf32>
    %add3A_24 = vector.broadcast %get3A_23 : vector<1x32xf32> to vector<2000x32xf32>
    %add3A_25 = arith.addf %dot_general3A_20, %add3A_24 : vector<2000x32xf32>
    %get3A_26 = arith.constant 0 : index
    %get3A_27 = arith.constant 0 : index
    %get3A_28 = vector.load %arg6[%get3A_26, %get3A_27] : memref<64x32xf32, #tpu.memory_space<vmem>>, vector<32x32xf32>
    %dot_general3A_29 = arith.constant dense<0.000000e+00> : vector<2000x32xf32>
    %dot_general3A_30 = tpu.matmul %add3A_25, %get3A_28, %dot_general3A_29 {dimension_numbers = #tpu.dot_dimension_numbers<[1], [0], [0], [1], [0, 0, 1, 1], [], []>, transpose_lhs_hint = false} : vector<2000x32xf32>, vector<32x32xf32>, vector<2000x32xf32> -> vector<2000x32xf32>
    %get3A_31 = arith.constant 0 : index
    %get3A_32 = arith.constant 0 : index
    %get3A_33 = vector.load %arg7[%get3A_31, %get3A_32] : memref<1x32xf32, #tpu.memory_space<vmem>>, vector<1x32xf32>
    %add3A_34 = vector.broadcast %get3A_33 : vector<1x32xf32> to vector<2000x32xf32>
    %add3A_35 = arith.addf %dot_general3A_30, %add3A_34 : vector<2000x32xf32>
    %logistic3A = arith.negf %add3A_35 : vector<2000x32xf32>
    %logistic3A_36 = math.exp %logistic3A : vector<2000x32xf32>
    %logistic3A_37 = arith.constant 1.000000e+00 : f32
    %logistic3A_38 = vector.broadcast %logistic3A_37 : f32 to vector<2000x32xf32>
    %logistic3A_39 = arith.addf %logistic3A_38, %logistic3A_36 : vector<2000x32xf32>
    %logistic3A_40 = arith.divf %logistic3A_38, %logistic3A_39 : vector<2000x32xf32>
    %get3A_41 = arith.constant 0 : index
    %get3A_42 = arith.constant 0 : index
    %get3A_43 = vector.load %arg8[%get3A_41, %get3A_42] : memref<32x32xf32, #tpu.memory_space<vmem>>, vector<32x32xf32>
    %dot_general3A_44 = arith.constant dense<0.000000e+00> : vector<2000x32xf32>
    %dot_general3A_45 = tpu.matmul %mul3A_16, %get3A_43, %dot_general3A_44 {dimension_numbers = #tpu.dot_dimension_numbers<[1], [0], [0], [1], [0, 0, 1, 1], [], []>, transpose_lhs_hint = false} : vector<2000x32xf32>, vector<32x32xf32>, vector<2000x32xf32> -> vector<2000x32xf32>
    %get3A_46 = arith.constant 0 : index
    %get3A_47 = arith.constant 0 : index
    %get3A_48 = vector.load %arg9[%get3A_46, %get3A_47] : memref<1x32xf32, #tpu.memory_space<vmem>>, vector<1x32xf32>
    %add3A_49 = vector.broadcast %get3A_48 : vector<1x32xf32> to vector<2000x32xf32>
    %add3A_50 = arith.addf %dot_general3A_45, %add3A_49 : vector<2000x32xf32>
    %get3A_51 = arith.constant 0 : index
    %get3A_52 = arith.constant 0 : index
    %get3A_53 = vector.load %arg10[%get3A_51, %get3A_52] : memref<64x32xf32, #tpu.memory_space<vmem>>, vector<32x32xf32>
    %dot_general3A_54 = arith.constant dense<0.000000e+00> : vector<2000x32xf32>
    %dot_general3A_55 = tpu.matmul %add3A_50, %get3A_53, %dot_general3A_54 {dimension_numbers = #tpu.dot_dimension_numbers<[1], [0], [0], [1], [0, 0, 1, 1], [], []>, transpose_lhs_hint = false} : vector<2000x32xf32>, vector<32x32xf32>, vector<2000x32xf32> -> vector<2000x32xf32>
    %get3A_56 = arith.constant 0 : index
    %get3A_57 = arith.constant 0 : index
    %get3A_58 = vector.load %arg11[%get3A_56, %get3A_57] : memref<1x32xf32, #tpu.memory_space<vmem>>, vector<1x32xf32>
    %add3A_59 = vector.broadcast %get3A_58 : vector<1x32xf32> to vector<2000x32xf32>
    %add3A_60 = arith.addf %dot_general3A_55, %add3A_59 : vector<2000x32xf32>
    %tanh3A = math.tanh %add3A_60 : vector<2000x32xf32>
    %sub3A = arith.constant 1.000000e+00 : f32
    %sub3A_61 = vector.broadcast %sub3A : f32 to vector<2000x32xf32>
    %sub3A_62 = arith.subf %sub3A_61, %logistic3A_40 : vector<2000x32xf32>
    %mul3A_63 = arith.mulf %sub3A_62, %tanh3A : vector<2000x32xf32>
    %max3A = arith.constant 0.000000e+00 : f32
    %max3A_64 = vector.broadcast %max3A : f32 to vector<2000x32xf32>
    %max3A_65 = arith.maximumf %mul3A_63, %max3A_64 : vector<2000x32xf32>
    %get3A_66 = arith.constant 0 : index
    %get3A_67 = arith.constant 0 : index
    %get3A_68 = vector.load %arg12[%get3A_66, %get3A_67] : memref<32x64xf32, #tpu.memory_space<vmem>>, vector<32x64xf32>
    %dot_general3A_69 = arith.constant dense<0.000000e+00> : vector<2000x64xf32>
    %dot_general3A_70 = tpu.matmul %max3A_65, %get3A_68, %dot_general3A_69 {dimension_numbers = #tpu.dot_dimension_numbers<[1], [0], [0], [1], [0, 0, 1, 1], [], []>, transpose_lhs_hint = false} : vector<2000x32xf32>, vector<32x64xf32>, vector<2000x64xf32> -> vector<2000x64xf32>
    %get3A_71 = arith.constant 0 : index
    %get3A_72 = arith.constant 0 : index
    %get3A_73 = vector.load %arg13[%get3A_71, %get3A_72] : memref<1x64xf32, #tpu.memory_space<vmem>>, vector<1x64xf32>
    %add3A_74 = vector.broadcast %get3A_73 : vector<1x64xf32> to vector<2000x64xf32>
    %add3A_75 = arith.addf %dot_general3A_70, %add3A_74 : vector<2000x64xf32>
    %max3A_76 = arith.constant 0.000000e+00 : f32
    %max3A_77 = vector.broadcast %max3A_76 : f32 to vector<2000x64xf32>
    %max3A_78 = arith.maximumf %add3A_75, %max3A_77 : vector<2000x64xf32>
    %get3A_79 = arith.constant 0 : index
    %get3A_80 = arith.constant 0 : index
    %get3A_81 = vector.load %arg14[%get3A_79, %get3A_80] : memref<64x100xf32, #tpu.memory_space<vmem>>, vector<64x100xf32>
    %dot_general3A_82 = arith.constant dense<0.000000e+00> : vector<2000x100xf32>
    %dot_general3A_83 = tpu.matmul %max3A_78, %get3A_81, %dot_general3A_82 {dimension_numbers = #tpu.dot_dimension_numbers<[1], [0], [0], [1], [0, 0, 1, 1], [], []>, transpose_lhs_hint = false} : vector<2000x64xf32>, vector<64x100xf32>, vector<2000x100xf32> -> vector<2000x100xf32>
    %get3A_84 = arith.constant 0 : index
    %get3A_85 = arith.constant 0 : index
    %get3A_86 = vector.load %arg15[%get3A_84, %get3A_85] : memref<1x100xf32, #tpu.memory_space<vmem>>, vector<1x100xf32>
    %add3A_87 = vector.broadcast %get3A_86 : vector<1x100xf32> to vector<2000x100xf32>
    %add3A_88 = arith.addf %dot_general3A_83, %add3A_87 : vector<2000x100xf32>
    %swap3A = arith.constant 0 : index
    %swap3A_89 = arith.constant 0 : index
    %swap3A_90 = vector.load %arg16[%swap3A, %swap3A_89] : memref<2000x100xf32, #tpu.memory_space<vmem>>, vector<2000x100xf32>
    tpu.vector_store %arg16[%swap3A, %swap3A_89], %add3A_88 {strides = array<i32>} : memref<2000x100xf32, #tpu.memory_space<vmem>>, vector<2000x100xf32>,
    return
  }
  func.func @transform_0(%arg0: i32) -> (i32, i32, i32) {
    %c0_i32 = arith.constant 0 : i32
    %c0_i32_0 = arith.constant 0 : i32
    %c0_i32_1 = arith.constant 0 : i32
    return %c0_i32, %arg0, %c0_i32_0 : i32, i32, i32
  }
  func.func @transform_1(%arg0: i32) -> (i32, i32) {
    %c0_i32 = arith.constant 0 : i32
    %c0_i32_0 = arith.constant 0 : i32
    return %arg0, %c0_i32 : i32, i32
  }
  func.func @transform_2(%arg0: i32) -> (i32, i32) {
    %c0_i32 = arith.constant 0 : i32
    %c0_i32_0 = arith.constant 0 : i32
    return %arg0, %c0_i32 : i32, i32
  }
  func.func @transform_3(%arg0: i32) -> (i32, i32) {
    %c0_i32 = arith.constant 0 : i32
    %c0_i32_0 = arith.constant 0 : i32
    %c0_i32_1 = arith.constant 0 : i32
    return %c0_i32, %c0_i32_0 : i32, i32
  }
  func.func @transform_4(%arg0: i32) -> (i32, i32) {
    %c0_i32 = arith.constant 0 : i32
    %c0_i32_0 = arith.constant 0 : i32
    %c0_i32_1 = arith.constant 0 : i32
    return %c0_i32, %c0_i32_0 : i32, i32
  }
  func.func @transform_5(%arg0: i32) -> (i32, i32) {
    %c0_i32 = arith.constant 0 : i32
    %c0_i32_0 = arith.constant 0 : i32
    %c0_i32_1 = arith.constant 0 : i32
    return %c0_i32, %c0_i32_0 : i32, i32
  }
  func.func @transform_6(%arg0: i32) -> (i32, i32) {
    %c0_i32 = arith.constant 0 : i32
    %c0_i32_0 = arith.constant 0 : i32
    %c0_i32_1 = arith.constant 0 : i32
    return %c0_i32, %c0_i32_0 : i32, i32
  }
  func.func @transform_7(%arg0: i32) -> (i32, i32) {
    %c0_i32 = arith.constant 0 : i32
    %c0_i32_0 = arith.constant 0 : i32
    %c0_i32_1 = arith.constant 0 : i32
    return %c0_i32, %c0_i32_0 : i32, i32
  }
  func.func @transform_8(%arg0: i32) -> (i32, i32) {
    %c0_i32 = arith.constant 0 : i32
    %c0_i32_0 = arith.constant 0 : i32
    %c0_i32_1 = arith.constant 0 : i32
    return %c0_i32, %c0_i32_0 : i32, i32
  }
  func.func @transform_9(%arg0: i32) -> (i32, i32) {
    %c0_i32 = arith.constant 0 : i32
    %c0_i32_0 = arith.constant 0 : i32
    %c0_i32_1 = arith.constant 0 : i32
    return %c0_i32, %c0_i32_0 : i32, i32
  }
  func.func @transform_10(%arg0: i32) -> (i32, i32) {
    %c0_i32 = arith.constant 0 : i32
    %c0_i32_0 = arith.constant 0 : i32
    %c0_i32_1 = arith.constant 0 : i32
    return %c0_i32, %c0_i32_0 : i32, i32
  }
  func.func @transform_11(%arg0: i32) -> (i32, i32) {
    %c0_i32 = arith.constant 0 : i32
    %c0_i32_0 = arith.constant 0 : i32
    %c0_i32_1 = arith.constant 0 : i32
    return %c0_i32, %c0_i32_0 : i32, i32
  }
  func.func @transform_12(%arg0: i32) -> (i32, i32) {
    %c0_i32 = arith.constant 0 : i32
    %c0_i32_0 = arith.constant 0 : i32
    %c0_i32_1 = arith.constant 0 : i32
    return %c0_i32, %c0_i32_0 : i32, i32
  }
  func.func @transform_13(%arg0: i32) -> (i32, i32) {
    %c0_i32 = arith.constant 0 : i32
    %c0_i32_0 = arith.constant 0 : i32
    %c0_i32_1 = arith.constant 0 : i32
    return %c0_i32, %c0_i32_0 : i32, i32
  }
  func.func @transform_14(%arg0: i32) -> (i32, i32) {
    %c0_i32 = arith.constant 0 : i32
    %c0_i32_0 = arith.constant 0 : i32
    %c0_i32_1 = arith.constant 0 : i32
    return %c0_i32, %c0_i32_0 : i32, i32
  }
  func.func @transform_15(%arg0: i32) -> (i32, i32) {
    %c0_i32 = arith.constant 0 : i32
    %c0_i32_0 = arith.constant 0 : i32
    return %arg0, %c0_i32 : i32, i32
  }
}

</mosaic_0001>

<sc_bundles>
// kernel: kernel.6.cloned.1.call-start
scs
__scs_entry_jumppad:
0x0: {  	(pc) =	sbr.rel $0x88, $3  }
0x1: {  	(tag) =	ssettag $0x0;
	lr =	simm.s32 $0x1  }
0x2: {  	[smem:$0x3F8E] =	sst lr;
	_ =	strace $0xD0000000  }
0x3: {  	_ = 	snop  }
0x4: {  	_ = 	snop  }
0x5: {  	_ = 	snop  }
0x6: {  	_ = 	snop  }
0x7: {  	_ = 	snop  }
__scs_overlays_trampoline_lowered:
0x8: {  	[smem:$0x3F9D] =	sst s0  }
0x9: {  	[smem:$0x3F9E] =	sst s1  }
0xa: {  	[smem:$0x3F9F] =	sst s2  }
0xb: {  	[smem:$0x3FA0] =	sst s3  }
0xc: {  	[smem:$0x3FA1] =	sst s4  }
0xd: {  	[smem:$0x3FA2] =	sst s5  }
0xe: {  	[smem:$0x3FA3] =	sst s6  }
0xf: {  	[smem:$0x3FA4] =	sst s7  }
0x10: {  	[smem:$0x3FA5] =	sst s8  }
0x11: {  	[smem:$0x3FA6] =	sst s9;
	s0 =	simm.s32 @!p0 $0x0  }
0x12: {  	s1 =	sld [smem:$0x3F8C];
	s0 =	simm.s32 @p0 $0x1  }
0x13: {  	[smem:$0x3FA7] =	sst s0;
	s0 =	simm.s32 @!p1 $0x0  }
0x14: {  	s2 =	sld [smem:$0x3F8B];
	s0 =	simm.s32 @p1 $0x1  }
0x15: {  	[smem:$0x3FA8] =	sst s0;
	s0 =	simm.s32 @!p2 $0x0  }
0x16: {  	s3 =	sld [smem:$0x3FDB];
	s0 =	simm.s32 @p2 $0x1  }
0x17: {  	s4 =	simm.s32 $0x1BF5;
	[smem:$0x3FAA] =	sst s0  }
0x18: {  	s0 =	sld [smem:$0x3F8D];
	_ =	swait.ge [sflag:s4], $0x0  }
0x19: {  	s7 =	sld [smem:$0x3F8E]  }
0x1a: {  	s8 =	sadd.s32 $0xFFFFE003, lr  }
0x1b: {  	s9 =	sadd.s32 $0xFFFFFEF7, lr;
	s5 =	simm.s32 $0xFFFFFFFF;
	p2 =	slt.u32 s8, $0xFFFFF086  }
0x1c: {  	p1 =	slt.u32 s9, $0xF7A;
	s5 =	simm.s32 @!p2 $0x0  }
0x1d: {  	s5 =	simm.s32 @p1 $0x1;
	p0 =	seq.s32 s7, s2  }
0x1e: {  	s7 =	smul.u32 @!p0 $0xF7A, s2;
	p2 =	seq.s32 @!p0 s5, $0x0  }
0x1f: {  	s9 =	smul.u32 $0xF7A, s1;
	s8 =	simm.s32 @!p0 $0x1BF5;
	p2 =	por !p2, p0  }
0x20: {  	[sflag:s8] =	ssyncset.s32 @!p0 $0xFFFFF086;
	s6 =	sadd.s32 @!p0 s3, s7;
	s7 =	simm.s32 @!p0 $0x108  }
0x21: {  	s3 =	sadd.s32 s3, s9;
	s6 =	sadd.s32 @!p0 $0x88, s6;
	s7 =	simm.s32 @p2 $0x1082  }
0x22: {  	[simem:s7], [sflag:s8] =	dma.local @!p0 [hbm:s6], $0xF7A  }
0x23: {  	s9 =	sor.u32 $0xD0000000, s2;
	s6 =	simm.s32 $0x108;
	_ =	swait.ge @!p0 [sflag:s8], $0x0  }
0x24: {  	s3 =	sadd.s32 $0x88, s3;
	s6 =	simm.s32 @!p1 $0x1082;
	[sflag:s4] =	ssyncset.s32 $0xFFFFF086  }
0x25: {  	[simem:s6], [sflag:s4] =	dma.local [hbm:s3], $0xF7A  }
0x26: {  	[smem:$0x3F8E] =	sst s1;
	(tag) =	ssettag s2;
	_ =	strace s9  }
0x27: {  	s1 =	sld [smem:$0x3F9E]  }
0x28: {  	s2 =	sld [smem:$0x3F9F]  }
0x29: {  	s4 =	sld [smem:$0x3FA1]  }
0x2a: {  	p0 =	seq.s32 s5, $0x0;
	s5 =	sld [smem:$0x3FA2]  }
0x2b: {  	s6 =	sld [smem:$0x3FA3]  }
0x2c: {  	s7 =	sld [smem:$0x3FA4]  }
0x2d: {  	s3 =	simm.s32 $0x108;
	s8 =	sld [smem:$0x3FA5]  }
0x2e: {  	s3 =	simm.s32 @!p0 $0x1082;
	s9 =	sld [smem:$0x3FA6]  }
0x2f: {  	lr =	sadd.s32 s0, s3;
	s0 =	sld [smem:$0x3F9D]  }
0x30: {  	s3 =	sld [smem:$0x3FA0]  }
0x31: {  	[smem:$0x3FA9] =	sst s10  }
0x32: {  	s10 =	sld [smem:$0x3FA7];
	_ =	sdelay $0x3  }
0x33: {  	p0 =	seq.s32 s10, $0x1;
	s10 =	sld [smem:$0x3FA9];
	_ =	sdelay $0x3  }
0x34: {  	[smem:$0x3FA9] =	sst s10  }
0x35: {  	s10 =	sld [smem:$0x3FA8];
	_ =	sdelay $0x3  }
0x36: {  	p1 =	seq.s32 s10, $0x1;
	s10 =	sld [smem:$0x3FA9];
	_ =	sdelay $0x3  }
0x37: {  	[smem:$0x3FA9] =	sst s10  }
0x38: {  	s10 =	sld [smem:$0x3FAA]  }
0x39: {  	_ = 	snop;
	(pc) =	sbr.ind lr, $3  }
0x3a: {  	_ = 	snop  }
0x3b: {  	_ = 	snop  }
0x3c: {  	p2 =	seq.s32 s10, $0x1;
	s10 =	sld [smem:$0x3FA9]  }
0x3d: {  	_ =	shalt  }
0x3e: {  	_ =	shalt  }
0x3f: {  	_ =	shalt  }
0x40: {  	_ =	shalt  }
0x41: {  	_ =	shalt  }
0x42: {  	_ =	shalt  }
0x43: {  	_ =	shalt  }
0x44: {  	_ =	shalt  }
0x45: {  	_ =	shalt  }
0x46: {  	_ =	shalt  }
0x47: {  	_ =	shalt  }
0x48: {  	_ =	shalt  }
0x49: {  	_ =	shalt  }
0x4a: {  	_ =	shalt  }
0x4b: {  	_ =	shalt  }
0x4c: {  	_ =	shalt  }
0x4d: {  	_ =	shalt  }
0x4e: {  	_ =	shalt  }
0x4f: {  	_ =	shalt  }
0x50: {  	_ =	shalt  }
0x51: {  	_ =	shalt  }
0x52: {  	_ =	shalt  }
0x53: {  	_ =	shalt  }
0x54: {  	_ =	shalt  }
0x55: {  	_ =	shalt  }
0x56: {  	_ =	shalt  }
0x57: {  	_ =	shalt  }
0x58: {  	_ =	shalt  }
0x59: {  	_ =	shalt  }
0x5a: {  	_ =	shalt  }
0x5b: {  	_ =	shalt  }
0x5c: {  	_ =	shalt  }
0x5d: {  	_ =	shalt  }
0x5e: {  	_ =	shalt  }
0x5f: {  	_ =	shalt  }
0x60: {  	_ =	shalt  }
0x61: {  	_ =	shalt  }
0x62: {  	_ =	shalt  }
0x63: {  	_ =	shalt  }
0x64: {  	_ =	shalt  }
0x65: {  	_ =	shalt  }
0x66: {  	_ =	shalt  }
0x67: {  	_ =	shalt  }
0x68: {  	_ =	shalt  }
0x69: {  	_ =	shalt  }
0x6a: {  	_ =	shalt  }
0x6b: {  	_ =	shalt  }
0x6c: {  	_ =	shalt  }
0x6d: {  	_ =	shalt  }
0x6e: {  	_ =	shalt  }
0x6f: {  	_ =	shalt  }
0x70: {  	_ =	shalt  }
0x71: {  	_ =	shalt  }
0x72: {  	_ =	shalt  }
0x73: {  	_ =	shalt  }
0x74: {  	_ =	shalt  }
0x75: {  	_ =	shalt  }
0x76: {  	_ =	shalt  }
0x77: {  	_ =	shalt  }
0x78: {  	_ =	shalt  }
0x79: {  	_ =	shalt  }
0x7a: {  	_ =	shalt  }
0x7b: {  	_ =	shalt  }
0x7c: {  	_ =	shalt  }
0x7d: {  	_ =	shalt  }
0x7e: {  	_ =	shalt  }
0x7f: {  	_ =	shalt  }
0x80: {  	_ =	shalt  }
0x81: {  	_ =	shalt  }
0x82: {  	_ =	shalt  }
0x83: {  	_ =	shalt  }
0x84: {  	_ =	shalt  }
0x85: {  	_ =	shalt  }
0x86: {  	_ =	shalt  }
0x87: {  	_ =	shalt  }
.Lfunc_end0:
.L_simem_size_0:
called_computation_lowered:
.L_overlay_start_0:
0x88: {  	s2 =	sld [smem:$0x3FD9]  }
0x89: {  	s3 =	sld [smem:$0x3FFE];
	_ =	sdelay $0x1  }
0x8a: {  	s1 =	srdreg.scid  }
0x8b: {  	s0 =	sand.u32 $0x1, s1  }
0x8c: {  	s17 =	sshll.u32 s0, $0xA;
	s2 =	sadd.s32 s3, s2  }
0x8d: {  	s2 =	sadd.s32 s2, s17  }
0x8e: {  	[smem:$0x3FB5] =	sst s2  }
0x8f: {  	_ = 	snop  }
0x90: {  	s2 =	sld [smem:$0x3FD0];
	(tm) =	ssettm $0x1  }
0x91: {  	s18 =	sld [smem:$0x3FFB];
	_ =	sdelay $0x3  }
0x92: {  	_ =	strace s18  }
0x93: {  	s3 =	sld [smem:$0x3FFC];
	_ =	sdelay $0x3  }
0x94: {  	_ =	strace s3  }
0x95: {  	s3 =	sld [smem:$0x3FFD];
	_ =	sdelay $0x3  }
0x96: {  	_ =	strace s3  }
0x97: {  	_ =	strace $0x8FFFFFFF  }
0x98: {  	s19 =	sld [smem:$0x3FDB];
	_ =	sdelay $0x1  }
0x99: {  	s4 =	simm.s32 $_scs_section_size  }
0x9a: {  	s5 =	simm.s32 $_size__tile_overlayer_lowered;
	s6 =	simm.s32 $_tile_overlayer_lowered  }
0x9b: {  	s22 =	simm.s32 $0x1BFF;
	s21 =	sshll.u32 s6, $0x1;
	s3 =	sadd.s32 s4, s19  }
0x9c: {  	s7 =	simm.s32 $0x0;
	s20 =	sshll.u32 s5, $0x1;
	s5 =	sadd.s32 s21, s3  }
0x9d: {  	[timem:s7], [sflag:s22] =	dma.local [hbm:s5], s20  }
0x9e: {  	_ =	swait.ge [sflag:s22], s20  }
0x9f: {  	s4 =	ssub.s32 $0x0, s20;
	[sflag:s22] =	ssyncset.done $0x0  }
0xa0: {  	[sflag:s22] =	ssyncadd.s32 s4;
	_ =	sdelay $0x1  }
0xa1: {  	s23 =	simm.s32 $0x1B8B  }
0xa2: {  	_ =	swait.ge [sflag:s23], $0x1  }
0xa3: {  	[sflag:s23] =	ssyncset.done $0x0  }
0xa4: {  	s25 =	simm.s32 $0x1B8E;
	s24 =	sld [smem:$0x3FFE];
	[sflag:s23] =	ssyncadd.s32 $0xFFFFFFFF  }
0xa5: {  	s26 =	simm.s32 $execute0_lowered;
	[smem:$0x3FD2] =	sst s25  }
0xa6: {  	s5 =	sshll.u32 s26, $0x1;
	_ =	strace $0x80000046;
	[dreg:$0x1] =	wrdreg $0xFFFFFFFF  }
0xa7: {  	s28 =	simm.s32 $_size_execute0_lowered;
	s3 =	sadd.s32 s3, s5;
	[dreg:$0x0] =	wrdreg $0x0  }
0xa8: {  	s5 =	sshll.u32 s28, $0x1;
	[dreg:$0x2] =	wrdreg s3  }
0xa9: {  	[dreg:$0x3] =	wrdreg s5  }
0xaa: {  	[dreg:$0x4] =	wrdreg $0xC0  }
0xab: {  	_ =	task [dreg:s7], $0x5FFFF  }
0xac: {  	[dreg:$0x1] =	wrdreg $0xFFFFFFFF  }
0xad: {  	[dreg:$0x0] =	wrdreg $0x60  }
0xae: {  	[dreg:$0x2] =	wrdreg s24  }
0xaf: {  	[dreg:$0x3] =	wrdreg s2  }
0xb0: {  	[dreg:$0x4] =	wrdreg $0x41000  }
0xb1: {  	[dreg:$0x5] =	wrdreg $0x9  }
0xb2: {  	_ =	task.clear_ibuf [dreg:s7], $0x6FFFF;
	_ =	strace $0x90000046  }
0xb3: {  	s29 =	simm.s32 $0x9;
	_ =	strace $0x80000048  }
0xb4: {  	_ =	swait.ge [sflag:s29], $0x1  }
0xb5: {  	[sflag:s29] =	ssyncadd.s32 $0xFFFFFFFF  }
0xb6: {  	_ =	strace $0x90000048  }
0xb7: {  	_ =	sfence  }
0xb8: {  	s30 =	sld [smem:$0x0];
	_ =	sdelay $0x2  }
0xb9: {  	s31 =	sshll.u32 s1, $0xD;
	s1 =	sshrl.u32 s1, $0x2  }
0xba: {  	s3 =	sand.u32 $0x4000, s31;
	s1 =	sadd.s32 s1, s30  }
0xbb: {  	s0 =	sor.u32 s3, s0;
	s1 =	sshll.u32 s1, $0x11  }
0xbc: {  	s0 =	sor.u32 s1, s0  }
0xbd: {  	s0 =	sadd.s32 $0x8F2B, s0  }
0xbe: {  	[sflag:s0] =	ssyncadd.remote.s32 $0x1  }
0xbf: {  	_ =	sfence.sel $0xFFFF  }
0xc0: {  	[dreg:$0x0] =	wrdreg $0xFFFFFFFF;
	(pc) =	sbr.abs _section_cstart, $3  }
0xc1: {  	[dreg:$0x1] =	wrdreg $0xFFFFFFFF  }
0xc2: {  	_ =	task.clear_ibuf [dreg:s7], $0x2FFFF;
	_ =	strace $0x9FFFFFFF  }
0xc3: {  	(tm) =	ssettm $0x7FFFFFFF  }
tec
execute0_lowered:
.L_overlay_start_1:
0x0: {  	(tag) =	ssettag $0x1  }
0x1: {  	s0 =	srdreg.scid;
	s4 =	rddreg [dreg:$0x0]  }
0x2: {  	s6 =	rddreg [dreg:$0x1];
	s5 =	sand.u32 $0x1, s0;
	s0 =	stileid.u32  }
0x3: {  	s2 =	rddreg [dreg:$0x2];
	s3 =	simm.s32 $0x0;
	s8 =	smul.u32 $0xC80, s0  }
0x4: {  	s16 =	simm.s32 $0x3;
	s17 =	simm.s32 $0x80;
	s9 =	smul.u32 $0xC800, s5  }
0x5: {  	s18 =	simm.s32 $0x3100;
	s19 =	simm.s32 $0x3900;
	s29 =	smul.u32 $0xC800, s0  }
0x6: {  	s20 =	simm.s32 $0x1;
	s21 =	simm.s32 $0x2;
	s11 =	smul.u32 $0xC40, s5  }
0x7: {  	s23 =	simm.s32 $0x1D100;
	s24 =	simm.s32 $0x0;
	s12 =	smul.u32 $0xC4, s0  }
0x8: {  	[smem:$0x7FF] =	sst s3;
	s1 =	sshll.u32 s5, $0x4;
	s14 =	smul.u32 $0x188000, s5  }
0x9: {  	s28 =	ssub.s32 $0x2, s5;
	s13 =	sshll.u32 s0, $0x6;
	s31 =	smul.u32 $0x18800, s0  }
0xa: {  	s22 =	sor.u32 s0, s1;
	s1 =	rddreg [dreg:$0x3];
	_ =	strace $0x80000047  }
0xb: {  	s30 =	sshrl.u32 s28, $0x1;
	s7 =	smul.u32 $0xC40, s22;
	s26 =	sadd.s32 s8, s9  }
0xc: {  	s8 =	ssub.s32 s28, s30;
	s9 =	sshrl.u32 s29, $0x3;
	s15 =	sadd.s32 s12, s11  }
0xd: {  	s14 =	sadd.s32 s14, s31;
	p0 =	seq.s32 s22, $0x1F;
	s22 =	simm.s32 $0x10900  }
0xe: {  	s5 =	sadd.s32 s6, s9;
	s6 =	sor.u32 $0x1C03, s13;
	s8 =	smax.u32 s8, $0x1  }
0xf: {  	s11 =	sor.u32 $0x3, s15;
	s12 =	sadd.s32 $0xFFCF3000, s14;
	s13 =	sadd.s32 $0x65, s15  }
0x10: {  	s14 =	sadd.s32 $0xFFCFF400, s14;
	s10 =	sadd.s32 s7, s4;
	s7 =	sshrl.u32 s26, $0x3  }
0x11: {  	v1 =	vlaneseq.u32;
	s7 =	sadd.s32 s7, s4;
	s4 =	sadd.s32 s29, s2;
	s9 =	sadd.s32 $0x1B800, s10  }
0x12: {  	v0 =	vimm.f32 $1.000000000e+00;
	v1 =	vmul.u32 $0x10, v1;
	s10 =	sadd.s32 $0x1BE20, s10;
	s7 =	sadd.s32 $0x34000, s7;
	s15 =	sshrl.u32 s4, $0x3  }
.LBB2_1:
0x13: {  	[spmem:s15], [sflag:s6] =	dma.local [hbm:s5], $0x1900  }
0x14: {  	_ =	swait.ge [sflag:s16], $0x1900  }
0x15: {  	[sflag:s16] =	ssyncset.done $0x0  }
0x16: {  	[sflag:s16] =	ssyncadd.s32 $0xFFFFE700  }
0x17: {  	[tilespmem:s19+$0xFFFFF800] =	vst v0  }
0x18: {  	[tilespmem:s19+$0x70] =	vst v0  }
0x19: {  	[tilespmem:s19+$0xFFFFF870] =	vst v0  }
0x1a: {  	[tilespmem:s19+$0x60] =	vst v0  }
0x1b: {  	[tilespmem:s19+$0xFFFFF860] =	vst v0  }
0x1c: {  	[tilespmem:s19+$0x50] =	vst v0  }
0x1d: {  	[tilespmem:s19+$0xFFFFF850] =	vst v0  }
0x1e: {  	[tilespmem:s19+$0x40] =	vst v0  }
0x1f: {  	[tilespmem:s19+$0xFFFFF840] =	vst v0  }
0x20: {  	[tilespmem:s19+$0x30] =	vst v0  }
0x21: {  	[tilespmem:s19+$0xFFFFF830] =	vst v0  }
0x22: {  	[tilespmem:s19+$0x20] =	vst v0  }
0x23: {  	[tilespmem:s19+$0xFFFFF820] =	vst v0  }
0x24: {  	[tilespmem:s19+$0x10] =	vst v0  }
0x25: {  	s25 =	simm.s32 $0x0;
	s26 =	simm.s32 $0x3900;
	[tilespmem:s19+$0xFFFFF810] =	vst v0  }
.LBB2_2:
0x26: {  	s25 =	sadd.s32 $0x8, s25;
	[tilespmem:s26+$0x0] =	vst v0;
	s26 =	sadd.s32 $0x80, s26  }
0x27: {  	[tilespmem:s26+$0xFFFFF800] =	vst v0;
	p1 =	slt.u32 s25, $0x78  }
0x28: {  	[tilespmem:s26+$0x70] =	vst v0  }
0x29: {  	[tilespmem:s26+$0xFFFFF870] =	vst v0  }
0x2a: {  	[tilespmem:s26+$0x60] =	vst v0  }
0x2b: {  	[tilespmem:s26+$0xFFFFF860] =	vst v0  }
0x2c: {  	[tilespmem:s26+$0x50] =	vst v0  }
0x2d: {  	[tilespmem:s26+$0xFFFFF850] =	vst v0  }
0x2e: {  	[tilespmem:s26+$0x40] =	vst v0  }
0x2f: {  	[tilespmem:s26+$0xFFFFF840] =	vst v0  }
0x30: {  	[tilespmem:s26+$0x30] =	vst v0  }
.Ltmp0:
0x31: {  	[tilespmem:s26+$0xFFFFF830] =	vst v0;
	(pc) =	sbr.rel @p1 .LBB2_2-.Ltmp0, $4  }
0x32: {  	[tilespmem:s26+$0x20] =	vst v0  }
0x33: {  	[tilespmem:s26+$0xFFFFF820] =	vst v0  }
0x34: {  	[tilespmem:s26+$0x10] =	vst v0  }
0x35: {  	[tilespmem:s26+$0xFFFFF810] =	vst v0  }
0x36: {  	[tilespmem:s26+$0x0] =	vst v0  }
0x37: {  	s25 =	simm.s32 $0x0;
	[bflag:$0x0] =	sbarrier.arrive $0xFFFF  }
0x38: {  	[tilespmem:s25], [sflag:$0x3] =	stream.linear.gather [hbm4b:s9+s25], $0x3100, $0x38;
	[tilespmem:$0x1DD80] =	vst v63  }
0x39: {  	_ =	swait.ge [sflag:s16], $0x3100  }
.Ltmp1:
0x3a: {  	[sflag:s16] =	ssyncset.done $0x0;
	(pc) =	sbr.rel .LBB2_4-.Ltmp1, $4  }
0x3b: {  	[sflag:s16] =	ssyncadd.s32 $0xFFFFCF00  }
0x3c: {  	[spmem:s2] =	stream.indirect.scatter.add.f32 [tilespmem:s18], [sflag:$0x1], $0x10, s25, s17, $0xb8;
	[tilespmem:$0x1DD80] =	vst v63  }
0x3d: {  	s26 =	smov.u32 s11  }
0x3e: {  	[spmem:s2] =	stream.indirect.scatter.add.f32 [tilespmem:s19], [sflag:$0x2], $0x10, s17, s17, $0xb8;
	[tilespmem:$0x1DD80] =	vst v63  }
.LBB2_9:
0x3f: {  	s28 =	sadd.s32 $0x180, s28  }
0x40: {  	[spmem:s2] =	stream.indirect.scatter.add.f32 [tilespmem:s19], [sflag:$0x2], $0x10, s28, s17, $0xb8;
	[tilespmem:$0x1DD80] =	vst v63  }
.LBB2_11:
0x41: {  	_ =	swait.ge [sflag:s21], $0x800  }
0x42: {  	[sflag:s21] =	ssyncset.done $0x0  }
0x43: {  	[sflag:s21] =	ssyncadd.s32 $0xFFFFF800  }
.LBB2_12:
0x44: {  	s25 =	sadd.s32 $0x400, s25  }
0x45: {  	p1 =	sne.s32 s25, $0xC000  }
.Ltmp2:
0x46: {  	_ = 	snop;
	(pc) =	sbr.rel @!p1 .LBB2_13-.Ltmp2, $2  }
0x47: {  	_ =	sdelay $0x2  }
0x48: {  	s26 =	sadd.s32 $0x2, s26  }
.LBB2_4:
0x49: {  	s28 =	sadd.s32 $0xFFFFFFFF, s26  }
0x4a: {  	p1 =	sgt.u32 s28, $0x1869  }
.Ltmp3:
0x4b: {  	_ = 	snop;
	(pc) =	sbr.rel @p1 .LBB2_6-.Ltmp3, $2  }
0x4c: {  	_ =	sdelay $0x2  }
0x4d: {  	s28 =	sshra.s32 s25, $0x2  }
.Ltmp4:
0x4e: {  	(pc) =	sbr.rel .LBB2_7-.Ltmp4, $3  }
0x4f: {  	_ =	sdelay $0x1  }
0x50: {  	s29 =	sadd.s32 $0x100, s28  }
0x51: {  	[spmem:s2] =	stream.indirect.scatter.add.f32 [tilespmem:s18], [sflag:$0x1], $0x10, s29, s17, $0xb8;
	[tilespmem:$0x1DD80] =	vst v63  }
.LBB2_6:
0x52: {  	s29 =	sadd.s32 s25, s12  }
0x53: {  	p1 =	sne.s32 s29, $0x0  }
.Ltmp5:
0x54: {  	_ = 	snop;
	(pc) =	sbr.rel @p1 .LBB2_8-.Ltmp5, $1  }
0x55: {  	_ =	sdelay $0x3  }
.LBB2_7:
0x56: {  	_ =	swait.ge [sflag:s20], $0x800  }
0x57: {  	[sflag:s20] =	ssyncset.done $0x0  }
0x58: {  	[sflag:s20] =	ssyncadd.s32 $0xFFFFF800  }
.LBB2_8:
0x59: {  	p1 =	sgt.u32 s26, $0x1869  }
.Ltmp6:
0x5a: {  	_ = 	snop;
	(pc) =	sbr.rel @!p1 .LBB2_9-.Ltmp6, $1  }
0x5b: {  	_ =	sdelay $0x3  }
0x5c: {  	p1 =	sgt.u32 s26, $0x186B  }
.Ltmp7:
0x5d: {  	_ = 	snop;
	(pc) =	sbr.rel @p1 .LBB2_12-.Ltmp7, $4  }
.Ltmp8:
0x5e: {  	_ = 	snop;
	(pc) =	sbr.rel @!p1 .LBB2_11-.Ltmp8, $4  }
0x5f: {  	_ = 	snop  }
0x60: {  	_ = 	snop  }
0x61: {  	_ = 	snop  }
0x62: {  	_ = 	snop  }
.LBB2_13:
0x63: {  	_ =	swait.ge [sflag:s20], $0x800  }
0x64: {  	[sflag:s20] =	ssyncset.done $0x0  }
0x65: {  	[sflag:s20] =	ssyncadd.s32 $0xFFFFF800  }
0x66: {  	_ =	swait.ge [sflag:s21], $0x800  }
0x67: {  	[sflag:s21] =	ssyncset.done $0x0  }
0x68: {  	s25 =	simm.s32 $0x0;
	[sflag:s21] =	ssyncadd.s32 $0xFFFFF800  }
0x69: {  	[tilespmem:s25], [sflag:$0x3] =	stream.linear.gather [hbm4b:s10+s25], $0x3100, $0x38;
	[tilespmem:$0x1DD80] =	vst v63  }
0x6a: {  	_ =	swait.ge [sflag:s16], $0x3100  }
.Ltmp9:
0x6b: {  	[sflag:s16] =	ssyncset.done $0x0;
	(pc) =	sbr.rel .LBB2_14-.Ltmp9, $4  }
0x6c: {  	[sflag:s16] =	ssyncadd.s32 $0xFFFFCF00  }
0x6d: {  	[spmem:s2] =	stream.indirect.scatter.add.f32 [tilespmem:s18], [sflag:$0x1], $0x10, s25, s17, $0xb8;
	[tilespmem:$0x1DD80] =	vst v63  }
0x6e: {  	s26 =	smov.u32 s13  }
0x6f: {  	[spmem:s2] =	stream.indirect.scatter.add.f32 [tilespmem:s19], [sflag:$0x2], $0x10, s17, s17, $0xb8;
	[tilespmem:$0x1DD80] =	vst v63  }
.LBB2_20:
0x70: {  	s28 =	sadd.s32 $0x180, s28  }
0x71: {  	[spmem:s2] =	stream.indirect.scatter.add.f32 [tilespmem:s19], [sflag:$0x2], $0x10, s28, s17, $0xb8;
	[tilespmem:$0x1DD80] =	vst v63  }
.LBB2_21:
0x72: {  	_ =	swait.ge [sflag:s21], $0x800  }
0x73: {  	[sflag:s21] =	ssyncset.done $0x0  }
0x74: {  	[sflag:s21] =	ssyncadd.s32 $0xFFFFF800  }
.LBB2_22:
0x75: {  	s25 =	sadd.s32 $0x400, s25  }
0x76: {  	p1 =	sne.s32 s25, $0xC000  }
.Ltmp10:
0x77: {  	_ = 	snop;
	(pc) =	sbr.rel @!p1 .LBB2_23-.Ltmp10, $2  }
0x78: {  	_ =	sdelay $0x2  }
0x79: {  	s26 =	sadd.s32 $0x2, s26  }
.LBB2_14:
0x7a: {  	s28 =	sadd.s32 $0xFFFFFFFF, s26  }
0x7b: {  	p1 =	slt.u32 s28, $0x186A  }
.Ltmp11:
0x7c: {  	_ = 	snop;
	(pc) =	sbr.rel @!p1 .LBB2_15-.Ltmp11, $2  }
0x7d: {  	_ =	sdelay $0x2  }
0x7e: {  	s28 =	sshra.s32 s25, $0x2  }
.Ltmp12:
0x7f: {  	(pc) =	sbr.rel .LBB2_17-.Ltmp12, $3  }
0x80: {  	_ =	sdelay $0x1  }
0x81: {  	s29 =	sadd.s32 $0x100, s28  }
0x82: {  	[spmem:s2] =	stream.indirect.scatter.add.f32 [tilespmem:s18], [sflag:$0x1], $0x10, s29, s17, $0xb8;
	[tilespmem:$0x1DD80] =	vst v63  }
.LBB2_15:
0x83: {  	s29 =	sadd.s32 s25, s14  }
0x84: {  	p1 =	seq.s32 s29, $0x0  }
.Ltmp13:
0x85: {  	_ = 	snop;
	(pc) =	sbr.rel @!p1 .LBB2_18-.Ltmp13, $1  }
0x86: {  	_ =	sdelay $0x3  }
.LBB2_17:
0x87: {  	_ =	swait.ge [sflag:s20], $0x800  }
0x88: {  	[sflag:s20] =	ssyncset.done $0x0  }
0x89: {  	[sflag:s20] =	ssyncadd.s32 $0xFFFFF800  }
.LBB2_18:
0x8a: {  	p1 =	slt.u32 s26, $0x186A  }
.Ltmp14:
0x8b: {  	_ = 	snop;
	(pc) =	sbr.rel @p1 .LBB2_20-.Ltmp14, $1  }
0x8c: {  	_ =	sdelay $0x3  }
0x8d: {  	p1 =	slt.u32 s26, $0x186C  }
.Ltmp15:
0x8e: {  	_ = 	snop;
	(pc) =	sbr.rel @p1 .LBB2_21-.Ltmp15, $4  }
.Ltmp16:
0x8f: {  	_ = 	snop;
	(pc) =	sbr.rel @!p1 .LBB2_22-.Ltmp16, $4  }
0x90: {  	_ = 	snop  }
0x91: {  	_ = 	snop  }
0x92: {  	_ = 	snop  }
0x93: {  	_ = 	snop  }
.LBB2_23:
0x94: {  	s25 =	simm.s32 @!p0 $0x1  }
0x95: {  	_ =	swait.ge @!p0 [sflag:s25], $0x800  }
0x96: {  	[sflag:s25] =	ssyncset.done @!p0 $0x0  }
0x97: {  	[sflag:s25] =	ssyncadd.s32 @!p0 $0xFFFFF800;
	s25 =	simm.s32 @!p0 $0x2  }
0x98: {  	s26 =	simm.s32 $0x0;
	_ =	swait.ge @!p0 [sflag:s25], $0x800  }
0x99: {  	v2 =	vmov s26;
	[sflag:s25] =	ssyncset.done @!p0 $0x0  }
0x9a: {  	v2 =	vshll.u32 v2, $0x4;
	[sflag:s25] =	ssyncadd.s32 @!p0 $0xFFFFF800  }
0x9b: {  	v2 =	vor.u32 v1, v2;
	[bflag:$0x0] =	sbarrier.arrive $0xFFFF  }
0x9c: {  	[tilespmem:s22], [sflag:$0x3] =	stream.linear.gather [spmem:s4], $0xC800, $0x38;
	[tilespmem:$0x1DD80] =	vst v63  }
0x9d: {  	_ =	swait.ge [sflag:s16], $0xC800  }
0x9e: {  	s30 =	simm.s32 $0x10;
	[sflag:s16] =	ssyncset.done $0x0  }
0x9f: {  	v3 =	vmov s30;
	[sflag:s16] =	ssyncadd.s32 $0xFFFF3800  }
0xa0: {  	v3 =	vshll.u32 v3, $0x4;
	v2 =	vld.idx.msk [tilespmem:v2+s22+$0x0], $0xffff  }
0xa1: {  	v4 =	vor.u32 v1, v3;
	_ =	sdelay $0x2  }
0xa2: {  	s25 =	simm.s32 $0x1D100  }
0xa3: {  	s31 =	simm.s32 $0x20;
	[tilespmem:s25+$0x0] =	vst v2  }
0xa4: {  	s26 =	simm.s32 $0x30;
	v3 =	vmov s31;
	v2 =	vld.idx.msk [tilespmem:v4+s22+$0x0], $0xffff  }
.LBB2_24:
0xa5: {  	p1 =	sne.s32 s26, $0xC70;
	v3 =	vshll.u32 v3, $0x4  }
0xa6: {  	v4 =	vor.u32 v1, v3  }
.Ltmp17:
0xa7: {  	(pc) =	sbr.rel @p1 .LBB2_24-.Ltmp17, $4  }
0xa8: {  	_ = 	snop  }
0xa9: {  	s25 =	sadd.s32 $0x10, s25  }
0xaa: {  	[tilespmem:s25+$0x0] =	vst v2  }
0xab: {  	v3 =	vmov s26;
	s26 =	sadd.s32 $0x10, s26;
	v2 =	vld.idx.msk [tilespmem:v4+s22+$0x0], $0xffff  }
0xac: {  	v3 =	vshll.u32 v3, $0x4  }
0xad: {  	v3 =	vor.u32 v1, v3;
	_ =	sdelay $0x2  }
0xae: {  	s25 =	sadd.s32 $0x10, s25  }
0xaf: {  	[tilespmem:s25+$0x0] =	vst v2  }
0xb0: {  	v2 =	vld.idx.msk [tilespmem:v3+s22+$0x0], $0xffff;
	_ =	sdelay $0x2  }
0xb1: {  	s24 =	sadd.s32 $0x1, s24  }
0xb2: {  	p1 =	sne.s32 s24, s8;
	s25 =	sadd.s32 $0x10, s25  }
.Ltmp18:
0xb3: {  	[tilespmem:s25+$0x0] =	vst v2;
	(pc) =	sbr.rel @p1 .LBB2_1-.Ltmp18, $4  }
0xb4: {  	[hbm4b:s7+s3] =	stream.linear.scatter [tilespmem:s23], [sflag:$0x3], $0xC80, $0x38;
	[tilespmem:$0x1DD80] =	vst v63  }
0xb5: {  	_ =	swait.ge [sflag:s16], $0xC80  }
0xb6: {  	[sflag:s16] =	ssyncset.done $0x0  }
0xb7: {  	[sflag:s16] =	ssyncadd.s32 $0xFFFFF380  }
0xb8: {  	_ =	sfence.sel $0x180000  }
0xb9: {  	[bflag:$0x0] =	sbarrier.arrive $0xFFFF  }
0xba: {  	p0 =	sne.s32 s0, $0x0;
	_ =	strace $0x90000047  }
0xbb: {  	s0 =	sadd.s32 @!p0 $0x100000, s1;
	[bflag:$0x2] =	sbarrier.arrive $0xFFFF  }
0xbc: {  	[sflag:s0] =	ssyncadd.tile.s32 @!p0 $0x1;
	_ =	shalt  }
.Lfunc_end2:
_tile_overlayer_lowered:
.L_overlay_start_2:
0xbd: {  	(tag) =	ssettag $0x2  }
0xbe: {  	s0 =	rddreg [dreg:$0x0];
	s2 =	stileid.u32  }
0xbf: {  	s1 =	rddreg [dreg:$0x1];
	p0 =	sne.s32 s2, $0x0  }
0xc0: {  	s3 =	rddreg [dreg:$0x2];
	[bflag:$0x3] =	sbarrier.arrive $0xFFFF;
	s2 =	simm.s32 @!p0 $0x1C03  }
0xc1: {  	[timem:s3], [sflag:s2] =	dma.local @!p0 [hbm:s0], s1  }
0xc2: {  	s0 =	simm.s32 @!p0 $0x3  }
0xc3: {  	_ =	swait.ge @!p0 [sflag:s0], s1  }
0xc4: {  	s1 =	ssub.s32 @!p0 $0x0, s1;
	[sflag:s0] =	ssyncset.done @!p0 $0x0  }
0xc5: {  	[sflag:s0] =	ssyncadd.s32 @!p0 s1  }
0xc6: {  	[bflag:$0x3] =	sbarrier.arrive $0xFFFF  }
0xc7: {  	_ =	shalt  }

// kernel: kernel.9.cloned.1.call-start
scs
__scs_entry_jumppad:
0x0: {  	(pc) =	sbr.rel $0x88, $3  }
0x1: {  	(tag) =	ssettag $0x0;
	lr =	simm.s32 $0x1  }
0x2: {  	[smem:$0x3F8E] =	sst lr;
	_ =	strace $0xD0000000  }
0x3: {  	_ = 	snop  }
0x4: {  	_ = 	snop  }
0x5: {  	_ = 	snop  }
0x6: {  	_ = 	snop  }
0x7: {  	_ = 	snop  }
__scs_overlays_trampoline_lowered:
0x8: {  	[smem:$0x3F9D] =	sst s0  }
0x9: {  	[smem:$0x3F9E] =	sst s1  }
0xa: {  	[smem:$0x3F9F] =	sst s2  }
0xb: {  	[smem:$0x3FA0] =	sst s3  }
0xc: {  	[smem:$0x3FA1] =	sst s4  }
0xd: {  	[smem:$0x3FA2] =	sst s5  }
0xe: {  	[smem:$0x3FA3] =	sst s6  }
0xf: {  	[smem:$0x3FA4] =	sst s7  }
0x10: {  	[smem:$0x3FA5] =	sst s8  }
0x11: {  	[smem:$0x3FA6] =	sst s9;
	s0 =	simm.s32 @!p0 $0x0  }
0x12: {  	s1 =	sld [smem:$0x3F8C];
	s0 =	simm.s32 @p0 $0x1  }
0x13: {  	[smem:$0x3FA7] =	sst s0;
	s0 =	simm.s32 @!p1 $0x0  }
0x14: {  	s2 =	sld [smem:$0x3F8B];
	s0 =	simm.s32 @p1 $0x1  }
0x15: {  	[smem:$0x3FA8] =	sst s0;
	s0 =	simm.s32 @!p2 $0x0  }
0x16: {  	s3 =	sld [smem:$0x3FDB];
	s0 =	simm.s32 @p2 $0x1  }
0x17: {  	s4 =	simm.s32 $0x1BF5;
	[smem:$0x3FAA] =	sst s0  }
0x18: {  	s0 =	sld [smem:$0x3F8D];
	_ =	swait.ge [sflag:s4], $0x0  }
0x19: {  	s7 =	sld [smem:$0x3F8E]  }
0x1a: {  	s8 =	sadd.s32 $0xFFFFE003, lr  }
0x1b: {  	s9 =	sadd.s32 $0xFFFFFEF7, lr;
	s5 =	simm.s32 $0xFFFFFFFF;
	p2 =	slt.u32 s8, $0xFFFFF086  }
0x1c: {  	p1 =	slt.u32 s9, $0xF7A;
	s5 =	simm.s32 @!p2 $0x0  }
0x1d: {  	s5 =	simm.s32 @p1 $0x1;
	p0 =	seq.s32 s7, s2  }
0x1e: {  	s7 =	smul.u32 @!p0 $0xF7A, s2;
	p2 =	seq.s32 @!p0 s5, $0x0  }
0x1f: {  	s9 =	smul.u32 $0xF7A, s1;
	s8 =	simm.s32 @!p0 $0x1BF5;
	p2 =	por !p2, p0  }
0x20: {  	[sflag:s8] =	ssyncset.s32 @!p0 $0xFFFFF086;
	s6 =	sadd.s32 @!p0 s3, s7;
	s7 =	simm.s32 @!p0 $0x108  }
0x21: {  	s3 =	sadd.s32 s3, s9;
	s6 =	sadd.s32 @!p0 $0x88, s6;
	s7 =	simm.s32 @p2 $0x1082  }
0x22: {  	[simem:s7], [sflag:s8] =	dma.local @!p0 [hbm:s6], $0xF7A  }
0x23: {  	s9 =	sor.u32 $0xD0000000, s2;
	s6 =	simm.s32 $0x108;
	_ =	swait.ge @!p0 [sflag:s8], $0x0  }
0x24: {  	s3 =	sadd.s32 $0x88, s3;
	s6 =	simm.s32 @!p1 $0x1082;
	[sflag:s4] =	ssyncset.s32 $0xFFFFF086  }
0x25: {  	[simem:s6], [sflag:s4] =	dma.local [hbm:s3], $0xF7A  }
0x26: {  	[smem:$0x3F8E] =	sst s1;
	(tag) =	ssettag s2;
	_ =	strace s9  }
0x27: {  	s1 =	sld [smem:$0x3F9E]  }
0x28: {  	s2 =	sld [smem:$0x3F9F]  }
0x29: {  	s4 =	sld [smem:$0x3FA1]  }
0x2a: {  	p0 =	seq.s32 s5, $0x0;
	s5 =	sld [smem:$0x3FA2]  }
0x2b: {  	s6 =	sld [smem:$0x3FA3]  }
0x2c: {  	s7 =	sld [smem:$0x3FA4]  }
0x2d: {  	s3 =	simm.s32 $0x108;
	s8 =	sld [smem:$0x3FA5]  }
0x2e: {  	s3 =	simm.s32 @!p0 $0x1082;
	s9 =	sld [smem:$0x3FA6]  }
0x2f: {  	lr =	sadd.s32 s0, s3;
	s0 =	sld [smem:$0x3F9D]  }
0x30: {  	s3 =	sld [smem:$0x3FA0]  }
0x31: {  	[smem:$0x3FA9] =	sst s10  }
0x32: {  	s10 =	sld [smem:$0x3FA7];
	_ =	sdelay $0x3  }
0x33: {  	p0 =	seq.s32 s10, $0x1;
	s10 =	sld [smem:$0x3FA9];
	_ =	sdelay $0x3  }
0x34: {  	[smem:$0x3FA9] =	sst s10  }
0x35: {  	s10 =	sld [smem:$0x3FA8];
	_ =	sdelay $0x3  }
0x36: {  	p1 =	seq.s32 s10, $0x1;
	s10 =	sld [smem:$0x3FA9];
	_ =	sdelay $0x3  }
0x37: {  	[smem:$0x3FA9] =	sst s10  }
0x38: {  	s10 =	sld [smem:$0x3FAA]  }
0x39: {  	_ = 	snop;
	(pc) =	sbr.ind lr, $3  }
0x3a: {  	_ = 	snop  }
0x3b: {  	_ = 	snop  }
0x3c: {  	p2 =	seq.s32 s10, $0x1;
	s10 =	sld [smem:$0x3FA9]  }
0x3d: {  	_ =	shalt  }
0x3e: {  	_ =	shalt  }
0x3f: {  	_ =	shalt  }
0x40: {  	_ =	shalt  }
0x41: {  	_ =	shalt  }
0x42: {  	_ =	shalt  }
0x43: {  	_ =	shalt  }
0x44: {  	_ =	shalt  }
0x45: {  	_ =	shalt  }
0x46: {  	_ =	shalt  }
0x47: {  	_ =	shalt  }
0x48: {  	_ =	shalt  }
0x49: {  	_ =	shalt  }
0x4a: {  	_ =	shalt  }
0x4b: {  	_ =	shalt  }
0x4c: {  	_ =	shalt  }
0x4d: {  	_ =	shalt  }
0x4e: {  	_ =	shalt  }
0x4f: {  	_ =	shalt  }
0x50: {  	_ =	shalt  }
0x51: {  	_ =	shalt  }
0x52: {  	_ =	shalt  }
0x53: {  	_ =	shalt  }
0x54: {  	_ =	shalt  }
0x55: {  	_ =	shalt  }
0x56: {  	_ =	shalt  }
0x57: {  	_ =	shalt  }
0x58: {  	_ =	shalt  }
0x59: {  	_ =	shalt  }
0x5a: {  	_ =	shalt  }
0x5b: {  	_ =	shalt  }
0x5c: {  	_ =	shalt  }
0x5d: {  	_ =	shalt  }
0x5e: {  	_ =	shalt  }
0x5f: {  	_ =	shalt  }
0x60: {  	_ =	shalt  }
0x61: {  	_ =	shalt  }
0x62: {  	_ =	shalt  }
0x63: {  	_ =	shalt  }
0x64: {  	_ =	shalt  }
0x65: {  	_ =	shalt  }
0x66: {  	_ =	shalt  }
0x67: {  	_ =	shalt  }
0x68: {  	_ =	shalt  }
0x69: {  	_ =	shalt  }
0x6a: {  	_ =	shalt  }
0x6b: {  	_ =	shalt  }
0x6c: {  	_ =	shalt  }
0x6d: {  	_ =	shalt  }
0x6e: {  	_ =	shalt  }
0x6f: {  	_ =	shalt  }
0x70: {  	_ =	shalt  }
0x71: {  	_ =	shalt  }
0x72: {  	_ =	shalt  }
0x73: {  	_ =	shalt  }
0x74: {  	_ =	shalt  }
0x75: {  	_ =	shalt  }
0x76: {  	_ =	shalt  }
0x77: {  	_ =	shalt  }
0x78: {  	_ =	shalt  }
0x79: {  	_ =	shalt  }
0x7a: {  	_ =	shalt  }
0x7b: {  	_ =	shalt  }
0x7c: {  	_ =	shalt  }
0x7d: {  	_ =	shalt  }
0x7e: {  	_ =	shalt  }
0x7f: {  	_ =	shalt  }
0x80: {  	_ =	shalt  }
0x81: {  	_ =	shalt  }
0x82: {  	_ =	shalt  }
0x83: {  	_ =	shalt  }
0x84: {  	_ =	shalt  }
0x85: {  	_ =	shalt  }
0x86: {  	_ =	shalt  }
0x87: {  	_ =	shalt  }
.Lfunc_end0:
.L_simem_size_0:
called_computation.1_lowered:
.L_overlay_start_0:
0x88: {  	s2 =	sld [smem:$0x3FD9]  }
0x89: {  	s3 =	sld [smem:$0x3FFE];
	_ =	sdelay $0x1  }
0x8a: {  	s1 =	srdreg.scid  }
0x8b: {  	s0 =	sand.u32 $0x1, s1  }
0x8c: {  	s17 =	sshll.u32 s0, $0xA;
	s2 =	sadd.s32 s3, s2  }
0x8d: {  	s2 =	sadd.s32 s2, s17  }
0x8e: {  	[smem:$0x3FB5] =	sst s2  }
0x8f: {  	_ = 	snop  }
0x90: {  	s2 =	sld [smem:$0x3FD0];
	(tm) =	ssettm $0x1  }
0x91: {  	s18 =	sld [smem:$0x3FFB];
	_ =	sdelay $0x3  }
0x92: {  	_ =	strace s18  }
0x93: {  	s3 =	sld [smem:$0x3FFC];
	_ =	sdelay $0x3  }
0x94: {  	_ =	strace s3  }
0x95: {  	s3 =	sld [smem:$0x3FFD];
	_ =	sdelay $0x3  }
0x96: {  	_ =	strace s3  }
0x97: {  	_ =	strace $0x8FFFFFFF  }
0x98: {  	s19 =	sld [smem:$0x3FDB];
	_ =	sdelay $0x1  }
0x99: {  	s4 =	simm.s32 $_scs_section_size  }
0x9a: {  	s5 =	simm.s32 $_size__tile_overlayer_lowered;
	s6 =	simm.s32 $_tile_overlayer_lowered  }
0x9b: {  	s22 =	simm.s32 $0x1BFF;
	s21 =	sshll.u32 s6, $0x1;
	s3 =	sadd.s32 s4, s19  }
0x9c: {  	s7 =	simm.s32 $0x0;
	s20 =	sshll.u32 s5, $0x1;
	s5 =	sadd.s32 s21, s3  }
0x9d: {  	[timem:s7], [sflag:s22] =	dma.local [hbm:s5], s20  }
0x9e: {  	_ =	swait.ge [sflag:s22], s20  }
0x9f: {  	s4 =	ssub.s32 $0x0, s20;
	[sflag:s22] =	ssyncset.done $0x0  }
0xa0: {  	[sflag:s22] =	ssyncadd.s32 s4;
	_ =	sdelay $0x1  }
0xa1: {  	s23 =	simm.s32 $0x1B8B  }
0xa2: {  	_ =	swait.ge [sflag:s23], $0x1  }
0xa3: {  	[sflag:s23] =	ssyncset.done $0x0  }
0xa4: {  	s25 =	simm.s32 $0x1B8E;
	s24 =	sld [smem:$0x3FFE];
	[sflag:s23] =	ssyncadd.s32 $0xFFFFFFFF  }
0xa5: {  	s26 =	simm.s32 $execute0_lowered;
	[smem:$0x3FD2] =	sst s25  }
0xa6: {  	s5 =	sshll.u32 s26, $0x1;
	_ =	strace $0x80000049;
	[dreg:$0x1] =	wrdreg $0xFFFFFFFF  }
0xa7: {  	s28 =	simm.s32 $_size_execute0_lowered;
	s3 =	sadd.s32 s3, s5;
	[dreg:$0x0] =	wrdreg $0x0  }
0xa8: {  	s5 =	sshll.u32 s28, $0x1;
	[dreg:$0x2] =	wrdreg s3  }
0xa9: {  	[dreg:$0x3] =	wrdreg s5  }
0xaa: {  	[dreg:$0x4] =	wrdreg $0xC0  }
0xab: {  	_ =	task [dreg:s7], $0x5FFFF  }
0xac: {  	[dreg:$0x1] =	wrdreg $0xFFFFFFFF  }
0xad: {  	[dreg:$0x0] =	wrdreg $0x60  }
0xae: {  	[dreg:$0x2] =	wrdreg s24  }
0xaf: {  	[dreg:$0x3] =	wrdreg s2  }
0xb0: {  	[dreg:$0x4] =	wrdreg $0x5C000  }
0xb1: {  	[dreg:$0x5] =	wrdreg $0x9  }
0xb2: {  	_ =	task.clear_ibuf [dreg:s7], $0x6FFFF;
	_ =	strace $0x90000049  }
0xb3: {  	s29 =	simm.s32 $0x9;
	_ =	strace $0x8000004B  }
0xb4: {  	_ =	swait.ge [sflag:s29], $0x1  }
0xb5: {  	[sflag:s29] =	ssyncadd.s32 $0xFFFFFFFF  }
0xb6: {  	_ =	strace $0x9000004B  }
0xb7: {  	_ =	sfence  }
0xb8: {  	s30 =	sld [smem:$0x0];
	_ =	sdelay $0x2  }
0xb9: {  	s31 =	sshll.u32 s1, $0xD;
	s1 =	sshrl.u32 s1, $0x2  }
0xba: {  	s3 =	sand.u32 $0x4000, s31;
	s1 =	sadd.s32 s1, s30  }
0xbb: {  	s0 =	sor.u32 s3, s0;
	s1 =	sshll.u32 s1, $0x11  }
0xbc: {  	s0 =	sor.u32 s1, s0  }
0xbd: {  	s0 =	sadd.s32 $0x8F2B, s0  }
0xbe: {  	[sflag:s0] =	ssyncadd.remote.s32 $0x1  }
0xbf: {  	_ =	sfence.sel $0xFFFF  }
0xc0: {  	[dreg:$0x0] =	wrdreg $0xFFFFFFFF;
	(pc) =	sbr.abs _section_cstart, $3  }
0xc1: {  	[dreg:$0x1] =	wrdreg $0xFFFFFFFF  }
0xc2: {  	_ =	task.clear_ibuf [dreg:s7], $0x2FFFF;
	_ =	strace $0x9FFFFFFF  }
0xc3: {  	(tm) =	ssettm $0x7FFFFFFF  }
tec
execute0_lowered:
.L_overlay_start_1:
0x0: {  	(tag) =	ssettag $0x1  }
0x1: {  	s0 =	rddreg [dreg:$0x0]  }
0x2: {  	s10 =	rddreg [dreg:$0x1]  }
0x3: {  	s2 =	rddreg [dreg:$0x2];
	s3 =	simm.s32 $0x0;
	s1 =	stileid.u32  }
0x4: {  	s4 =	srdreg.scid;
	s17 =	simm.s32 $0x1C00;
	s18 =	simm.s32 $0x2C00  }
0x5: {  	s19 =	simm.s32 $0x1;
	s20 =	simm.s32 $0x3C00;
	s21 =	simm.s32 $0x2  }
0x6: {  	s22 =	simm.s32 $0x4C00;
	s23 =	simm.s32 $0x3;
	s6 =	smul.u32 $0x19000, s1  }
0x7: {  	[smem:$0x7FF] =	sst s3;
	s7 =	sand.u32 $0x1, s4;
	s14 =	smul.u32 $0x13880, s1  }
0x8: {  	s4 =	sadd.s32 $0x34000, s0;
	s5 =	sadd.s32 $0x3000, s0;
	s16 =	smul.u32 $0xC4, s1  }
0x9: {  	s26 =	sshll.u32 s1, $0x6;
	_ =	strace $0x8000004A;
	s12 =	smul.u32 $0x138800, s7  }
0xa: {  	s9 =	ssub.s32 $0x2, s7;
	s24 =	sshll.u32 s7, $0x4;
	s15 =	smul.u32 $0xC40, s7  }
0xb: {  	s7 =	sor.u32 $0x1C09, s26;
	s8 =	sshrl.u32 s6, $0x3;
	s11 =	sshrl.u32 s9, $0x1  }
0xc: {  	s13 =	sadd.s32 s6, s2;
	s29 =	sadd.s32 s14, s2;
	s8 =	sadd.s32 s8, s0  }
0xd: {  	s11 =	ssub.s32 s9, s11;
	s9 =	sor.u32 s1, s24;
	s12 =	sadd.s32 s14, s12  }
0xe: {  	s30 =	sadd.s32 s16, s15;
	s13 =	sshrl.u32 s13, $0x3;
	s14 =	simm.s32 $0x9  }
.Ltmp0:
0xf: {  	s15 =	simm.s32 $0xE00;
	s16 =	simm.s32 $0x80;
	(pc) =	sbr.rel .LBB2_1-.Ltmp0, $4  }
0x10: {  	s24 =	simm.s32 $0x4;
	s25 =	sadd.s32 $0x66000, s8;
	s8 =	smul.u32 $0xC4, s9  }
0x11: {  	s28 =	sshrl.u32 s12, $0x3;
	s31 =	smax.u32 s11, $0x1;
	[dreg:$0x4] =	wrdreg s25  }
0x12: {  	s9 =	sadd.s32 $0x1B800, s0;
	s0 =	sadd.s32 s10, s28;
	[dreg:$0x6] =	wrdreg s31  }
0x13: {  	s12 =	sor.u32 $0x3, s30;
	s25 =	sshrl.u32 s29, $0x3;
	[dreg:$0x5] =	wrdreg s0  }
.LBB2_6:
0x14: {  	[bflag:$0x0] =	sbarrier.arrive $0xFFFF  }
0x15: {  	s0 =	rddreg [dreg:$0x5]  }
0x16: {  	[hbm:s0], [sflag:s7] =	dma.local [spmem:s25], $0x2710  }
0x17: {  	_ =	swait.ge [sflag:s14], $0x2710  }
0x18: {  	s3 =	sadd.s32 $0x1, s3;
	s31 =	rddreg [dreg:$0x6]  }
0x19: {  	p0 =	sne.s32 s3, s31  }
.Ltmp1:
0x1a: {  	_ = 	snop;
	(pc) =	sbr.rel @!p0 .LBB2_7-.Ltmp1, $3  }
0x1b: {  	_ =	sdelay $0x1  }
0x1c: {  	[sflag:s14] =	ssyncset.done $0x0  }
0x1d: {  	[sflag:s14] =	ssyncadd.s32 $0xFFFFD8F0  }
.LBB2_1:
0x1e: {  	s0 =	rddreg [dreg:$0x4]  }
0x1f: {  	[spmem:s13], [sflag:s7] =	dma.local [hbm:s0], $0x3200  }
.Ltmp2:
0x20: {  	_ =	swait.ge [sflag:s14], $0x3200;
	(pc) =	sbr.rel .LBB2_2-.Ltmp2, $4  }
0x21: {  	[sflag:s14] =	ssyncset.done $0x0  }
0x22: {  	[sflag:s14] =	ssyncadd.s32 $0xFFFFCE00  }
0x23: {  	[bflag:$0x0] =	sbarrier.arrive $0xFFFF  }
0x24: {  	s26 =	smov.u32 s12;
	s28 =	simm.s32 $0x0  }
.LBB2_5:
0x25: {  	p0 =	sgt.u32 s29, $0x1851  }
0x26: {  	s0 =	simm.s32 @!p0 $0x5  }
0x27: {  	_ =	swait.ge @!p0 [sflag:s0], $0x1000  }
0x28: {  	[sflag:s0] =	ssyncset.done @!p0 $0x0  }
0x29: {  	[sflag:s0] =	ssyncadd.s32 @!p0 $0xFFFFF000;
	s0 =	simm.s32 @!p0 $0x6  }
0x2a: {  	p1 =	sgt.u32 @!p0 s29, $0x184F;
	_ =	swait.ge @!p0 [sflag:s0], $0x1000  }
0x2b: {  	p1 =	por p1, p0;
	[sflag:s0] =	ssyncset.done @!p0 $0x0  }
0x2c: {  	s28 =	sadd.s32 $0x1, s28;
	[sflag:s0] =	ssyncadd.s32 @!p0 $0xFFFFF000;
	s0 =	simm.s32 @!p1 $0x7  }
0x2d: {  	p0 =	sne.s32 s28, $0x7;
	_ =	swait.ge @!p1 [sflag:s0], $0x1000  }
.Ltmp3:
0x2e: {  	[sflag:s0] =	ssyncset.done @!p1 $0x0;
	(pc) =	sbr.rel @!p0 .LBB2_6-.Ltmp3, $4  }
0x2f: {  	[sflag:s0] =	ssyncadd.s32 @!p1 $0xFFFFF000;
	s0 =	simm.s32 @!p1 $0x8  }
0x30: {  	_ =	swait.ge @!p1 [sflag:s0], $0x1000  }
0x31: {  	[sflag:s0] =	ssyncset.done @!p1 $0x0  }
0x32: {  	s26 =	sadd.s32 $0x1C, s26;
	[sflag:s0] =	ssyncadd.s32 @!p1 $0xFFFFF000  }
.LBB2_2:
0x33: {  	s0 =	smul.u32 $0x1C, s28;
	_ =	sdelay $0x1  }
0x34: {  	s29 =	sadd.s32 s8, s0  }
0x35: {  	s0 =	sshll.u32 s29, $0x4  }
0x36: {  	s30 =	simm.s32 $0x0;
	s31 =	sadd.s32 s5, s0  }
0x37: {  	[tilespmem:s30], [sflag:$0x9] =	stream.linear.gather [hbm4b:s31+s30], $0xE00, $0x38;
	[tilespmem:$0x1EC00] =	vst v63  }
0x38: {  	_ =	swait.ge [sflag:s14], $0xE00  }
0x39: {  	[sflag:s14] =	ssyncset.done $0x0  }
0x3a: {  	s0 =	sadd.s32 s0, s9;
	[sflag:s14] =	ssyncadd.s32 $0xFFFFF200  }
0x3b: {  	[tilespmem:s15], [sflag:$0x9] =	stream.linear.gather [hbm4b:s0+s30], $0xE00, $0x38;
	[tilespmem:$0x1EC00] =	vst v63  }
0x3c: {  	_ =	swait.ge [sflag:s14], $0xE00  }
0x3d: {  	[sflag:s14] =	ssyncset.done $0x0  }
0x3e: {  	[sflag:s14] =	ssyncadd.s32 $0xFFFFF200  }
0x3f: {  	[tilespmem:s17], [sflag:$0x1] =	stream.indirect.gather [hbm4b:s4+s16], $0x20, s30, s16, $0xb8;
	[tilespmem:$0x1EC00] =	vst v63  }
0x40: {  	s31 =	smov.u32 s26  }
0x41: {  	[tilespmem:s18], [sflag:$0x2] =	stream.indirect.gather [hbm4b:s4+s16], $0x20, s16, s16, $0xb8;
	[tilespmem:$0x1EC00] =	vst v63  }
.LBB2_3:
0x42: {  	_ =	swait.ge [sflag:s19], $0x1000;
	s0 =	sadd.s32 $0xFFFFFFFD, s31  }
0x43: {  	[sflag:s19] =	ssyncset.done $0x0;
	p0 =	sgt.u32 s0, $0x1869  }
0x44: {  	[sflag:s19] =	ssyncadd.s32 $0xFFFFF000;
	s1 =	sshra.s32 @!p0 s30, $0x2  }
0x45: {  	s6 =	simm.s32 @!p0 $0x80;
	s10 =	simm.s32 @!p0 $0x1C00;
	s1 =	sadd.s32 @!p0 $0xE00, s1  }
0x46: {  	[spmem:s2] =	stream.indirect.scatter.add.f32 @!p0 [tilespmem:s10], [sflag:$0x5], $0x20, s1, s6, $0xb8;
	[tilespmem:$0x1EC00] =	vst v63  }
0x47: {  	p0 =	seq.s32 s30, $0x0  }
0x48: {  	p1 =	sgt.u32 @!p0 s0, $0x186A  }
0x49: {  	p1 =	por p1, p0  }
0x4a: {  	s1 =	simm.s32 @!p1 $0x7  }
0x4b: {  	_ =	swait.ge @!p1 [sflag:s1], $0x1000  }
0x4c: {  	s0 =	sshra.s32 s30, $0x2;
	[sflag:s1] =	ssyncset.done @!p1 $0x0  }
0x4d: {  	s10 =	sadd.s32 $0x100, s0;
	[sflag:s1] =	ssyncadd.s32 @!p1 $0xFFFFF000;
	s1 =	sadd.s32 $0xFFFFFFFE, s31  }
0x4e: {  	[tilespmem:s20], [sflag:$0x3] =	stream.indirect.gather [hbm4b:s4+s16], $0x20, s10, s16, $0xb8;
	[tilespmem:$0x1EC00] =	vst v63  }
0x4f: {  	p1 =	sgt.u32 s1, $0x1869;
	_ =	swait.ge [sflag:s21], $0x1000  }
0x50: {  	s6 =	sshra.s32 @!p1 s30, $0x2;
	s10 =	simm.s32 @!p1 $0x80;
	[sflag:s21] =	ssyncset.done $0x0  }
0x51: {  	s11 =	simm.s32 @!p1 $0x2C00;
	s6 =	sadd.s32 @!p1 $0xE80, s6;
	[sflag:s21] =	ssyncadd.s32 $0xFFFFF000  }
0x52: {  	[spmem:s2] =	stream.indirect.scatter.add.f32 @!p1 [tilespmem:s11], [sflag:$0x6], $0x20, s6, s10, $0xb8;
	[tilespmem:$0x1EC00] =	vst v63  }
0x53: {  	p1 =	sgt.u32 @!p0 s1, $0x186B  }
0x54: {  	p0 =	por p1, p0  }
0x55: {  	s1 =	simm.s32 @!p0 $0x8  }
0x56: {  	_ =	swait.ge @!p0 [sflag:s1], $0x1000  }
0x57: {  	[sflag:s1] =	ssyncset.done @!p0 $0x0  }
0x58: {  	s11 =	sadd.s32 $0x180, s0;
	[sflag:s1] =	ssyncadd.s32 @!p0 $0xFFFFF000;
	s1 =	sadd.s32 $0xFFFFFFFF, s31  }
0x59: {  	[tilespmem:s22], [sflag:$0x4] =	stream.indirect.gather [hbm4b:s4+s16], $0x20, s11, s16, $0xb8;
	[tilespmem:$0x1EC00] =	vst v63  }
0x5a: {  	p0 =	sgt.u32 s1, $0x1869;
	_ =	swait.ge [sflag:s23], $0x1000  }
0x5b: {  	s6 =	sshra.s32 @!p0 s30, $0x2;
	s10 =	simm.s32 @!p0 $0x80;
	[sflag:s23] =	ssyncset.done $0x0  }
0x5c: {  	s11 =	simm.s32 @!p0 $0x3C00;
	s6 =	sadd.s32 @!p0 $0xF00, s6;
	[sflag:s23] =	ssyncadd.s32 $0xFFFFF000  }
0x5d: {  	[spmem:s2] =	stream.indirect.scatter.add.f32 @!p0 [tilespmem:s11], [sflag:$0x7], $0x20, s6, s10, $0xb8;
	[tilespmem:$0x1EC00] =	vst v63  }
0x5e: {  	p0 =	seq.s32 s30, $0x3000  }
0x5f: {  	p1 =	sgt.u32 @!p0 s1, $0x186A  }
0x60: {  	p1 =	por p1, p0  }
0x61: {  	s1 =	simm.s32 @!p1 $0x5  }
0x62: {  	_ =	swait.ge @!p1 [sflag:s1], $0x1000  }
0x63: {  	[sflag:s1] =	ssyncset.done @!p1 $0x0  }
0x64: {  	[sflag:s1] =	ssyncadd.s32 @!p1 $0xFFFFF000;
	s1 =	sshra.s32 @!p0 s30, $0x2  }
0x65: {  	s6 =	simm.s32 @!p0 $0x80;
	s10 =	simm.s32 @!p0 $0x1C00;
	s1 =	sadd.s32 @!p0 $0x200, s1  }
0x66: {  	[tilespmem:s10], [sflag:$0x1] =	stream.indirect.gather @!p0 [hbm4b:s4+s6], $0x20, s1, s6, $0xb8;
	[tilespmem:$0x1EC00] =	vst v63  }
.Ltmp4:
0x67: {  	_ = 	snop;
	(pc) =	sbr.rel @p0 .LBB2_5-.Ltmp4, $4  }
0x68: {  	p1 =	sgt.u32 s31, $0x1869;
	_ =	swait.ge [sflag:s24], $0x1000  }
0x69: {  	s1 =	sshra.s32 @!p1 s30, $0x2;
	s6 =	simm.s32 @!p1 $0x80;
	[sflag:s24] =	ssyncset.done $0x0  }
0x6a: {  	s10 =	simm.s32 @!p1 $0x4C00;
	s1 =	sadd.s32 @!p1 $0xF80, s1;
	[sflag:s24] =	ssyncadd.s32 $0xFFFFF000  }
0x6b: {  	[spmem:s2] =	stream.indirect.scatter.add.f32 @!p1 [tilespmem:s10], [sflag:$0x8], $0x20, s1, s6, $0xb8;
	[tilespmem:$0x1EC00] =	vst v63  }
0x6c: {  	p0 =	sgt.u32 s31, $0x186B  }
.Ltmp5:
0x6d: {  	s1 =	simm.s32 @!p0 $0x6;
	(pc) =	sbr.rel .LBB2_3-.Ltmp5, $4  }
0x6e: {  	_ =	swait.ge @!p0 [sflag:s1], $0x1000  }
0x6f: {  	s0 =	sadd.s32 $0x280, s0;
	[sflag:s1] =	ssyncset.done @!p0 $0x0  }
0x70: {  	s30 =	sadd.s32 $0x800, s30;
	s31 =	sadd.s32 $0x4, s31;
	[sflag:s1] =	ssyncadd.s32 @!p0 $0xFFFFF000  }
0x71: {  	[tilespmem:s18], [sflag:$0x2] =	stream.indirect.gather [hbm4b:s4+s16], $0x20, s0, s16, $0xb8;
	[tilespmem:$0x1EC00] =	vst v63  }
.LBB2_7:
0x72: {  	_ =	sfence.sel $0x180000  }
0x73: {  	[bflag:$0x0] =	sbarrier.arrive $0xFFFF  }
0x74: {  	_ =	strace $0x9000004A  }
0x75: {  	s0 =	stileid.u32;
	[bflag:$0x2] =	sbarrier.arrive $0xFFFF  }
0x76: {  	p0 =	sne.s32 s0, $0x0;
	s0 =	rddreg [dreg:$0x3]  }
0x77: {  	s0 =	sadd.s32 @!p0 $0x100000, s0  }
0x78: {  	[sflag:s0] =	ssyncadd.tile.s32 @!p0 $0x1;
	_ =	shalt  }
.Lfunc_end2:
_tile_overlayer_lowered:
.L_overlay_start_2:
0x79: {  	(tag) =	ssettag $0x2  }
0x7a: {  	s0 =	rddreg [dreg:$0x0];
	s2 =	stileid.u32  }
0x7b: {  	s1 =	rddreg [dreg:$0x1];
	p0 =	sne.s32 s2, $0x0  }
0x7c: {  	s3 =	rddreg [dreg:$0x2];
	[bflag:$0x3] =	sbarrier.arrive $0xFFFF;
	s2 =	simm.s32 @!p0 $0x1C09  }
0x7d: {  	[timem:s3], [sflag:s2] =	dma.local @!p0 [hbm:s0], s1  }
0x7e: {  	s0 =	simm.s32 @!p0 $0x9  }
0x7f: {  	_ =	swait.ge @!p0 [sflag:s0], s1  }
0x80: {  	s1 =	ssub.s32 @!p0 $0x0, s1;
	[sflag:s0] =	ssyncset.done @!p0 $0x0  }
0x81: {  	[sflag:s0] =	ssyncadd.s32 @!p0 s1  }
0x82: {  	[bflag:$0x3] =	sbarrier.arrive $0xFFFF  }
0x83: {  	_ =	shalt  }

</sc_bundles>
